<compile_context>
chip_gen: v7x
topology: tpu7x:2x2x1
jax: 0.10.2.dev20260603
libtpu: 0.0.44.dev20260713+nightly
codegen_flags: <defaults>
</compile_context>

<pallas_src>
import functools

import jax
import jax.numpy as jnp
from jax import lax
from jax.experimental import pallas as pl
from jax.experimental.pallas import tpu as pltpu
from jax.experimental.pallas import tpu_sc as plsc

N_NODES = 10000
N_EDGES = 320000
DIM = 128
HEADS = 8
DH = DIM // HEADS
ATTN_SCALE = DH ** -0.5

NC = 2
NS = 16
NW = NC * NS

HALF = DIM // 2
WIDTH = HALF + 16

GCHUNK = 40
GEDGES = N_EDGES // NW
SCHUNK = 80
SEDGES = N_EDGES // NS

ROWS_MAIN = 624
ROWS_TAIL = N_NODES - NS * ROWS_MAIN

_BN = 2000
_BE = 2000


def _sc_mesh():
    return plsc.VectorSubcoreMesh(
        core_axis_name="c", subcore_axis_name="s", num_cores=NC, num_subcores=NS
    )


def _gather_hdst(h, edge_index):
    @functools.partial(
        pl.kernel,
        out_type=jax.ShapeDtypeStruct((N_EDGES, DIM), jnp.float32),
        mesh=_sc_mesh(),
        scratch_types=[
            pltpu.VMEM((GCHUNK,), jnp.int32),
            pltpu.VMEM((GCHUNK, DIM), jnp.float32),
        ],
    )
    def gather_kernel(h_hbm, ei_hbm, out_hbm, idx_v, rows_v):
        wid = lax.axis_index("c") * NS + lax.axis_index("s")
        base = N_EDGES + wid * GEDGES

        @pl.loop(0, GEDGES, step=GCHUNK)
        def _(off):
            pltpu.sync_copy(ei_hbm.at[pl.ds(base + off, GCHUNK)], idx_v)
            pltpu.sync_copy(h_hbm.at[idx_v], rows_v)
            pltpu.sync_copy(rows_v, out_hbm.at[pl.ds(base + off, GCHUNK)])

    return gather_kernel(h, edge_index)


def _edge_body(e_ref, hd_ref, wq_ref, bq_ref, wkv_ref, bkv_ref, o_ref):
    qd = (
        jnp.dot(hd_ref[...], wq_ref[...], preferred_element_type=jnp.float32)
        + bq_ref[...]
    ) * ATTN_SCALE
    kv = (
        jnp.dot(e_ref[...], wkv_ref[...], preferred_element_type=jnp.float32)
        + bkv_ref[...]
    )
    k = kv[:, :DIM]
    v = kv[:, DIM:]
    t = qd * k
    lane = lax.broadcasted_iota(jnp.int32, (DIM, HEADS), 0)
    head = lax.broadcasted_iota(jnp.int32, (DIM, HEADS), 1)
    hsum_mat = (lane // DH == head).astype(jnp.float32)
    logit = jnp.dot(t, hsum_mat, preferred_element_type=jnp.float32)
    ex = jnp.exp(logit)
    head2 = lax.broadcasted_iota(jnp.int32, (HEADS, DIM), 0)
    lane2 = lax.broadcasted_iota(jnp.int32, (HEADS, DIM), 1)
    expand_mat = (lane2 // DH == head2).astype(jnp.float32)
    exb = jnp.dot(ex, expand_mat, preferred_element_type=jnp.float32)
    wm = exb * v
    expad = jnp.concatenate(
        [ex, jnp.zeros((ex.shape[0], 16 - HEADS), jnp.float32)], axis=1
    )
    row0 = jnp.concatenate([wm[:, :HALF], expad], axis=1)
    row1 = jnp.concatenate([wm[:, HALF:], expad], axis=1)
    o_ref[...] = jnp.stack([row0, row1], axis=0)


def _edge_compute(e, hdst, Wq, bq2d, Wkv, bkv2d):
    return pl.pallas_call(
        _edge_body,
        grid=(N_EDGES // _BE,),
        in_specs=[
            pl.BlockSpec((_BE, DIM), lambda i: (i, 0)),
            pl.BlockSpec((_BE, DIM), lambda i: (i, 0)),
            pl.BlockSpec((DIM, DIM), lambda i: (0, 0)),
            pl.BlockSpec((1, DIM), lambda i: (0, 0)),
            pl.BlockSpec((DIM, 2 * DIM), lambda i: (0, 0)),
            pl.BlockSpec((1, 2 * DIM), lambda i: (0, 0)),
        ],
        out_specs=pl.BlockSpec((NC, _BE, WIDTH), lambda i: (0, i, 0)),
        out_shape=jax.ShapeDtypeStruct((NC, N_EDGES, WIDTH), jnp.float32),
    )(e, hdst, Wq, bq2d, Wkv, bkv2d)


def _scatter(msg, edge_index):
    @functools.partial(
        pl.kernel,
        out_type=jax.ShapeDtypeStruct((NC, N_NODES, WIDTH), jnp.float32),
        mesh=_sc_mesh(),
        scratch_types=[
            pltpu.VMEM((SCHUNK,), jnp.int32),
            pltpu.VMEM((SCHUNK, WIDTH), jnp.float32),
            pltpu.VMEM_SHARED((N_NODES, WIDTH), jnp.float32),
        ],
    )
    def scatter_kernel(msg_hbm, ei_hbm, out_hbm, idx_v, buf, sh):
        cid = lax.axis_index("c")
        sid = lax.axis_index("s")

        @pl.loop(0, SCHUNK)
        def _(i):
            for j in range(WIDTH // 16):
                buf[i, pl.ds(j * 16, 16)] = jnp.zeros((16,), jnp.float32)

        r0 = sid * ROWS_MAIN

        @pl.loop(0, ROWS_MAIN - SCHUNK, step=SCHUNK)
        def _(r):
            pltpu.sync_copy(buf, sh.at[pl.ds(r0 + r, SCHUNK)])

        rem = ROWS_MAIN % SCHUNK if ROWS_MAIN % SCHUNK else SCHUNK
        pltpu.sync_copy(
            buf.at[pl.ds(0, rem)], sh.at[pl.ds(r0 + ROWS_MAIN - rem, rem)]
        )

        @pl.when(sid == NS - 1)
        def _():
            t0 = NS * ROWS_MAIN
            pltpu.sync_copy(buf.at[pl.ds(0, ROWS_TAIL)], sh.at[pl.ds(t0, ROWS_TAIL)])

        plsc.subcore_barrier()

        ebase = N_EDGES + sid * SEDGES

        @pl.loop(0, SEDGES, step=SCHUNK)
        def _(off):
            pltpu.sync_copy(ei_hbm.at[pl.ds(ebase + off, SCHUNK)], idx_v)
            pltpu.sync_copy(msg_hbm.at[cid].at[pl.ds(ebase + off, SCHUNK)], buf)
            pltpu.sync_copy(buf, sh.at[idx_v], add=True)

        plsc.subcore_barrier()
        pltpu.sync_copy(
            sh.at[pl.ds(r0, ROWS_MAIN)], out_hbm.at[cid].at[pl.ds(r0, ROWS_MAIN)]
        )

        @pl.when(sid == NS - 1)
        def _():
            t0 = NS * ROWS_MAIN
            pltpu.sync_copy(
                sh.at[pl.ds(t0, ROWS_TAIL)], out_hbm.at[cid].at[pl.ds(t0, ROWS_TAIL)]
            )

    return scatter_kernel(msg, edge_index)


def _final_body(acc_ref, wp_ref, bp_ref, o_ref):
    hs = jnp.concatenate(
        [acc_ref[0][:, :HALF], acc_ref[1][:, :HALF]], axis=1
    )
    dn = acc_ref[0][:, HALF : HALF + HEADS]
    head = lax.broadcasted_iota(jnp.int32, (HEADS, DIM), 0)
    lane = lax.broadcasted_iota(jnp.int32, (HEADS, DIM), 1)
    expand_mat = (lane // DH == head).astype(jnp.float32)
    dn128 = jnp.dot(dn, expand_mat, preferred_element_type=jnp.float32)
    h_agg = jnp.where(dn128 > 0.0, hs / dn128, 0.0)
    o_ref[...] = (
        jnp.dot(h_agg, wp_ref[...], preferred_element_type=jnp.float32)
        + bp_ref[...]
    )


def _finalize(acc, Wp, bp2d):
    return pl.pallas_call(
        _final_body,
        grid=(N_NODES // _BN,),
        in_specs=[
            pl.BlockSpec((NC, _BN, WIDTH), lambda i: (0, i, 0)),
            pl.BlockSpec((DIM, DIM), lambda i: (0, 0)),
            pl.BlockSpec((1, DIM), lambda i: (0, 0)),
        ],
        out_specs=pl.BlockSpec((_BN, DIM), lambda i: (i, 0)),
        out_shape=jax.ShapeDtypeStruct((N_NODES, DIM), jnp.float32),
    )(acc, Wp, bp2d)


def kernel(h, e, edge_index, Wq, bq, Wkv, bkv, Wp, bp):
    ei_flat = edge_index.reshape(-1)
    hdst = _gather_hdst(h, ei_flat)
    msg = _edge_compute(
        e, hdst, Wq, bq.reshape(1, DIM), Wkv, bkv.reshape(1, 2 * DIM)
    )
    acc = _scatter(msg, ei_flat)
    return _finalize(acc, Wp, bp.reshape(1, DIM))

# --- scband reference (transcript-rebuilt; emitter-appended) ---
"""Pipeline reference for scband-cross-attention-24979529793594 (READ-ONLY COPY).

The authoritative reference and input builder live on the scoring server;
editing this copy changes nothing except your own understanding.
"""

import jax, jax.numpy as jnp
import numpy as np

N = 10000
E = 320000
DIM = 128
H = 8
DH = DIM // H
SCALE = DH ** -0.5


def setup_inputs(seed: int = 0):
    key = jax.random.key(seed)
    ks = jax.random.split(key, 8)
    h = jax.random.normal(ks[0], (N, DIM), dtype=jnp.float32)
    e = jax.random.normal(ks[1], (E, DIM), dtype=jnp.float32)
    edge_index = jax.random.randint(ks[2], (2, E), 0, N)
    Wq = jax.random.normal(ks[3], (DIM, DIM), dtype=jnp.float32) * (DIM ** -0.5)
    bq = jnp.zeros((DIM,), dtype=jnp.float32)
    Wkv = jax.random.normal(ks[4], (DIM, 2 * DIM), dtype=jnp.float32) * (DIM ** -0.5)
    bkv = jnp.zeros((2 * DIM,), dtype=jnp.float32)
    Wp = jax.random.normal(ks[5], (DIM, DIM), dtype=jnp.float32) * (DIM ** -0.5)
    bp = jnp.zeros((DIM,), dtype=jnp.float32)
    return {"h": h, "e": e, "edge_index": edge_index, "Wq": Wq, "bq": bq, "Wkv": Wkv, "bkv": bkv, "Wp": Wp, "bp": bp}


def reference(h, e, edge_index, Wq, bq, Wkv, bkv, Wp, bp):
    # dst node of each edge (messages aggregate onto destination nodes)
    dst = edge_index[1]
    # q_linear on nodes, kv_linear on edges
    q = (h @ Wq + bq).reshape(N, H, DH)
    kv = (e @ Wkv + bkv).reshape(E, 2, H, DH)
    k = kv[:, 0]  # [E, H, DH]
    v = kv[:, 1]  # [E, H, DH]
    # fn.v_dot_e('q','k','attn'): per-edge, per-head dot of dst-node q with edge k
    attn = jnp.sum(q[dst] * k, axis=-1) * SCALE  # [E, H]
    # edge_softmax over incoming edges of each destination node (max-stabilized)
    m = jax.ops.segment_max(attn, dst, num_segments=N)  # [N, H]
    m = jnp.where(jnp.isfinite(m), m, 0.0)
    ex = jnp.exp(attn - m[dst])
    denom = jax.ops.segment_sum(ex, dst, num_segments=N)  # [N, H]
    alpha = ex / denom[dst]  # [E, H]
    # g.edata['v'] = attn * v ; update_all(copy_e, sum)
    msg = alpha[:, :, None] * v  # [E, H, DH]
    h_agg = jax.ops.segment_sum(msg, dst, num_segments=N).reshape(N, DIM)
    return h_agg @ Wp + bp

if __name__ == "__main__":
    import jax
    _d = setup_inputs()
    print(jax.jit(kernel)(*tuple(_d.values())))

</pallas_src>

<mosaic_0001>
#map = affine_map<(d0, d1) -> (0, 0, 0)>
#map1 = affine_map<(d0, d1) -> (0)>
module attributes {stable_mosaic.version = 14 : i64} {
  func.func @scatter_kernel(%arg0: i32, %arg1: i32, %arg2: memref<2x320000x80xf32, #tpu.memory_space<hbm>>, %arg3: memref<640000xi32, #tpu.memory_space<hbm>>, %arg4: memref<2x10000x80xf32, #tpu.memory_space<hbm>>, %arg5: memref<80xi32, #tpu.memory_space<vmem>>, %arg6: memref<80x80xf32, #tpu.memory_space<vmem>>, %arg7: memref<10000x80xf32, #tpu.memory_space<vmem_shared>>) attributes {dimension_semantics = [#tpu.dimension_semantics<core_parallel>, #tpu.dimension_semantics<subcore_parallel>], iteration_bounds = array<i64: 2, 16>, scalar_prefetch = 0 : i64, scratch_operands = 3 : i64, tpu.core_type = #tpu.core_type<sc_vector_subcore>, window_params = [{transform_indices = #map}, {transform_indices = #map1}, {transform_indices = #map}]} {
    %scan3A = arith.constant 0 : i32
    %scan3A_0 = arith.constant 80 : i32
    %scan3A_1 = arith.addi %scan3A, %scan3A_0 : i32
    %scan3A_2 = arith.constant 1 : i32
    scf.for %scan3A_29 = %scan3A to %scan3A_1 step %scan3A_2  : i32 {
      %mul3A_30 = arith.constant 1 : i32
      %mul3A_31 = arith.muli %scan3A_29, %mul3A_30 : i32
      %add3A_32 = arith.constant 0 : i32
      %add3A_33 = arith.addi %add3A_32, %mul3A_31 : i32
      %broadcast_in_dim3A = arith.constant 0.000000e+00 : f32
      %broadcast_in_dim3A_34 = vector.broadcast %broadcast_in_dim3A : f32 to vector<16xf32>
      %swap3A = arith.index_cast %add3A_33 : i32 to index
      %swap3A_35 = arith.constant 0 : index
      %swap3A_36 = tpu.vector_load %arg6[%swap3A, %swap3A_35] {strides = array<i32>} : memref<80x80xf32, #tpu.memory_space<vmem>>, vector<1x16xf32>,
      %swap3A_37 = vector.shape_cast %swap3A_36 : vector<1x16xf32> to vector<16xf32>
      %swap3A_38 = vector.shape_cast %broadcast_in_dim3A_34 : vector<16xf32> to vector<1x16xf32>
      tpu.vector_store %arg6[%swap3A, %swap3A_35], %swap3A_38 {strides = array<i32>} : memref<80x80xf32, #tpu.memory_space<vmem>>, vector<1x16xf32>,
      %broadcast_in_dim3A_39 = arith.constant 0.000000e+00 : f32
      %broadcast_in_dim3A_40 = vector.broadcast %broadcast_in_dim3A_39 : f32 to vector<16xf32>
      %swap3A_41 = arith.index_cast %add3A_33 : i32 to index
      %swap3A_42 = arith.constant 16 : index
      %swap3A_43 = tpu.vector_load %arg6[%swap3A_41, %swap3A_42] {strides = array<i32>} : memref<80x80xf32, #tpu.memory_space<vmem>>, vector<1x16xf32>,
      %swap3A_44 = vector.shape_cast %swap3A_43 : vector<1x16xf32> to vector<16xf32>
      %swap3A_45 = vector.shape_cast %broadcast_in_dim3A_40 : vector<16xf32> to vector<1x16xf32>
      tpu.vector_store %arg6[%swap3A_41, %swap3A_42], %swap3A_45 {strides = array<i32>} : memref<80x80xf32, #tpu.memory_space<vmem>>, vector<1x16xf32>,
      %broadcast_in_dim3A_46 = arith.constant 0.000000e+00 : f32
      %broadcast_in_dim3A_47 = vector.broadcast %broadcast_in_dim3A_46 : f32 to vector<16xf32>
      %swap3A_48 = arith.index_cast %add3A_33 : i32 to index
      %swap3A_49 = arith.constant 32 : index
      %swap3A_50 = tpu.vector_load %arg6[%swap3A_48, %swap3A_49] {strides = array<i32>} : memref<80x80xf32, #tpu.memory_space<vmem>>, vector<1x16xf32>,
      %swap3A_51 = vector.shape_cast %swap3A_50 : vector<1x16xf32> to vector<16xf32>
      %swap3A_52 = vector.shape_cast %broadcast_in_dim3A_47 : vector<16xf32> to vector<1x16xf32>
      tpu.vector_store %arg6[%swap3A_48, %swap3A_49], %swap3A_52 {strides = array<i32>} : memref<80x80xf32, #tpu.memory_space<vmem>>, vector<1x16xf32>,
      %broadcast_in_dim3A_53 = arith.constant 0.000000e+00 : f32
      %broadcast_in_dim3A_54 = vector.broadcast %broadcast_in_dim3A_53 : f32 to vector<16xf32>
      %swap3A_55 = arith.index_cast %add3A_33 : i32 to index
      %swap3A_56 = arith.constant 48 : index
      %swap3A_57 = tpu.vector_load %arg6[%swap3A_55, %swap3A_56] {strides = array<i32>} : memref<80x80xf32, #tpu.memory_space<vmem>>, vector<1x16xf32>,
      %swap3A_58 = vector.shape_cast %swap3A_57 : vector<1x16xf32> to vector<16xf32>
      %swap3A_59 = vector.shape_cast %broadcast_in_dim3A_54 : vector<16xf32> to vector<1x16xf32>
      tpu.vector_store %arg6[%swap3A_55, %swap3A_56], %swap3A_59 {strides = array<i32>} : memref<80x80xf32, #tpu.memory_space<vmem>>, vector<1x16xf32>,
      %broadcast_in_dim3A_60 = arith.constant 0.000000e+00 : f32
      %broadcast_in_dim3A_61 = vector.broadcast %broadcast_in_dim3A_60 : f32 to vector<16xf32>
      %swap3A_62 = arith.index_cast %add3A_33 : i32 to index
      %swap3A_63 = arith.constant 64 : index
      %swap3A_64 = tpu.vector_load %arg6[%swap3A_62, %swap3A_63] {strides = array<i32>} : memref<80x80xf32, #tpu.memory_space<vmem>>, vector<1x16xf32>,
      %swap3A_65 = vector.shape_cast %swap3A_64 : vector<1x16xf32> to vector<16xf32>
      %swap3A_66 = vector.shape_cast %broadcast_in_dim3A_61 : vector<16xf32> to vector<1x16xf32>
      tpu.vector_store %arg6[%swap3A_62, %swap3A_63], %swap3A_66 {strides = array<i32>} : memref<80x80xf32, #tpu.memory_space<vmem>>, vector<1x16xf32>,
    }
    %scan3A_3 = arith.constant 80 : i32
    %mul3A = arith.constant 624 : i32
    %mul3A_4 = arith.muli %arg1, %mul3A : i32
    %scan3A_5 = arith.constant 0 : i32
    %scan3A_6 = arith.constant 7 : i32
    %scan3A_7 = arith.addi %scan3A_5, %scan3A_6 : i32
    %scan3A_8 = arith.constant 1 : i32
    scf.for %scan3A_29 = %scan3A_5 to %scan3A_7 step %scan3A_8  : i32 {
      %mul3A_30 = arith.constant 80 : i32
      %mul3A_31 = arith.muli %scan3A_29, %mul3A_30 : i32
      %add3A_32 = arith.constant 0 : i32
      %add3A_33 = arith.addi %add3A_32, %mul3A_31 : i32
      %add3A_34 = arith.addi %mul3A_4, %add3A_33 : i32
      "tpu.region"() ({
        %run_scoped3A = tpu.sem_alloc : memref<!tpu.dma_semaphore, #tpu.memory_space<semaphore_mem>>
        %dma_start3A = arith.constant 0 : i32
        %dma_start3A_35 = tpu.memref_slice %arg7[%add3A_34, %dma_start3A] : memref<10000x80xf32, #tpu.memory_space<vmem_shared>> -> memref<80x80xf32, #tpu.memory_space<vmem_shared>>
        %dma_start3A_36 = arith.constant 0 : i32
        %dma_start3A_37 = tpu.memref_slice %arg7[%add3A_34, %dma_start3A_36] : memref<10000x80xf32, #tpu.memory_space<vmem_shared>> -> memref<80x80xf32, #tpu.memory_space<vmem_shared>>
        tpu.enqueue_dma source(%arg6 : memref<80x80xf32, #tpu.memory_space<vmem>>) target(%dma_start3A_37 : memref<80x80xf32, #tpu.memory_space<vmem_shared>>) target_semaphore(%run_scoped3A : memref<!tpu.dma_semaphore, #tpu.memory_space<semaphore_mem>>)
        %dma_wait3A = arith.constant 0 : i32
        %dma_wait3A_38 = tpu.memref_slice %arg7[%add3A_34, %dma_wait3A] : memref<10000x80xf32, #tpu.memory_space<vmem_shared>> -> memref<80x80xf32, #tpu.memory_space<vmem_shared>>
        %dma_wait3A_39 = arith.constant 0 : i32
        %dma_wait3A_40 = tpu.memref_slice %arg7[%add3A_34, %dma_wait3A_39] : memref<10000x80xf32, #tpu.memory_space<vmem_shared>> -> memref<80x80xf32, #tpu.memory_space<vmem_shared>>
        tpu.wait_dma2 semaphore(%run_scoped3A : memref<!tpu.dma_semaphore, #tpu.memory_space<semaphore_mem>>) src(%arg6 : memref<80x80xf32, #tpu.memory_space<vmem>>) dst(%dma_wait3A_40 : memref<80x80xf32, #tpu.memory_space<vmem_shared>>)
        tpu.yield
      }) : () -> ()
    }
    %scan3A_9 = arith.constant 7 : i32
    %add3A = arith.constant 624 : i32
    %add3A_10 = arith.addi %mul3A_4, %add3A : i32
    %sub3A = arith.constant 64 : i32
    %sub3A_11 = arith.subi %add3A_10, %sub3A : i32
    "tpu.region"() ({
      %run_scoped3A = tpu.sem_alloc : memref<!tpu.dma_semaphore, #tpu.memory_space<semaphore_mem>>
      %dma_start3A = arith.constant 0 : i32
      %dma_start3A_29 = arith.constant 0 : i32
      %dma_start3A_30 = tpu.memref_slice %arg6[%dma_start3A, %dma_start3A_29] : memref<80x80xf32, #tpu.memory_space<vmem>> -> memref<64x80xf32, #tpu.memory_space<vmem>>
      %dma_start3A_31 = arith.constant 0 : i32
      %dma_start3A_32 = tpu.memref_slice %arg7[%sub3A_11, %dma_start3A_31] : memref<10000x80xf32, #tpu.memory_space<vmem_shared>> -> memref<64x80xf32, #tpu.memory_space<vmem_shared>>
      %dma_start3A_33 = arith.constant 0 : i32
      %dma_start3A_34 = tpu.memref_slice %arg7[%sub3A_11, %dma_start3A_33] : memref<10000x80xf32, #tpu.memory_space<vmem_shared>> -> memref<64x80xf32, #tpu.memory_space<vmem_shared>>
      %dma_start3A_35 = arith.constant 0 : i32
      %dma_start3A_36 = arith.constant 0 : i32
      %dma_start3A_37 = tpu.memref_slice %arg6[%dma_start3A_35, %dma_start3A_36] : memref<80x80xf32, #tpu.memory_space<vmem>> -> memref<64x80xf32, #tpu.memory_space<vmem>>
      tpu.enqueue_dma source(%dma_start3A_37 : memref<64x80xf32, #tpu.memory_space<vmem>>) target(%dma_start3A_34 : memref<64x80xf32, #tpu.memory_space<vmem_shared>>) target_semaphore(%run_scoped3A : memref<!tpu.dma_semaphore, #tpu.memory_space<semaphore_mem>>)
      %dma_wait3A = arith.constant 0 : i32
      %dma_wait3A_38 = arith.constant 0 : i32
      %dma_wait3A_39 = tpu.memref_slice %arg6[%dma_wait3A, %dma_wait3A_38] : memref<80x80xf32, #tpu.memory_space<vmem>> -> memref<64x80xf32, #tpu.memory_space<vmem>>
      %dma_wait3A_40 = arith.constant 0 : i32
      %dma_wait3A_41 = tpu.memref_slice %arg7[%sub3A_11, %dma_wait3A_40] : memref<10000x80xf32, #tpu.memory_space<vmem_shared>> -> memref<64x80xf32, #tpu.memory_space<vmem_shared>>
      %dma_wait3A_42 = arith.constant 0 : i32
      %dma_wait3A_43 = tpu.memref_slice %arg7[%sub3A_11, %dma_wait3A_42] : memref<10000x80xf32, #tpu.memory_space<vmem_shared>> -> memref<64x80xf32, #tpu.memory_space<vmem_shared>>
      %dma_wait3A_44 = arith.constant 0 : i32
      %dma_wait3A_45 = arith.constant 0 : i32
      %dma_wait3A_46 = tpu.memref_slice %arg6[%dma_wait3A_44, %dma_wait3A_45] : memref<80x80xf32, #tpu.memory_space<vmem>> -> memref<64x80xf32, #tpu.memory_space<vmem>>
      tpu.wait_dma2 semaphore(%run_scoped3A : memref<!tpu.dma_semaphore, #tpu.memory_space<semaphore_mem>>) src(%dma_wait3A_46 : memref<64x80xf32, #tpu.memory_space<vmem>>) dst(%dma_wait3A_43 : memref<64x80xf32, #tpu.memory_space<vmem_shared>>)
      tpu.yield
    }) : () -> ()
    %eq3A = arith.constant 15 : i32
    %eq3A_12 = arith.cmpi eq, %arg1, %eq3A : i32
    %convert_element_type3A = arith.extui %eq3A_12 : i1 to i32
    %cond3A = arith.constant 0 : i32
    %cond3A_13 = arith.cmpi ne, %convert_element_type3A, %cond3A : i32
    scf.if %cond3A_13 {
      "tpu.region"() ({
        %run_scoped3A = tpu.sem_alloc : memref<!tpu.dma_semaphore, #tpu.memory_space<semaphore_mem>>
        %dma_start3A = arith.constant 0 : i32
        %dma_start3A_29 = arith.constant 0 : i32
        %dma_start3A_30 = tpu.memref_slice %arg6[%dma_start3A, %dma_start3A_29] : memref<80x80xf32, #tpu.memory_space<vmem>> -> memref<16x80xf32, #tpu.memory_space<vmem>>
        %dma_start3A_31 = arith.constant 9984 : i32
        %dma_start3A_32 = arith.constant 0 : i32
        %dma_start3A_33 = tpu.memref_slice %arg7[%dma_start3A_31, %dma_start3A_32] : memref<10000x80xf32, #tpu.memory_space<vmem_shared>> -> memref<16x80xf32, #tpu.memory_space<vmem_shared>>
        %dma_start3A_34 = arith.constant 9984 : i32
        %dma_start3A_35 = arith.constant 0 : i32
        %dma_start3A_36 = tpu.memref_slice %arg7[%dma_start3A_34, %dma_start3A_35] : memref<10000x80xf32, #tpu.memory_space<vmem_shared>> -> memref<16x80xf32, #tpu.memory_space<vmem_shared>>
        %dma_start3A_37 = arith.constant 0 : i32
        %dma_start3A_38 = arith.constant 0 : i32
        %dma_start3A_39 = tpu.memref_slice %arg6[%dma_start3A_37, %dma_start3A_38] : memref<80x80xf32, #tpu.memory_space<vmem>> -> memref<16x80xf32, #tpu.memory_space<vmem>>
        tpu.enqueue_dma source(%dma_start3A_39 : memref<16x80xf32, #tpu.memory_space<vmem>>) target(%dma_start3A_36 : memref<16x80xf32, #tpu.memory_space<vmem_shared>>) target_semaphore(%run_scoped3A : memref<!tpu.dma_semaphore, #tpu.memory_space<semaphore_mem>>)
        %dma_wait3A = arith.constant 0 : i32
        %dma_wait3A_40 = arith.constant 0 : i32
        %dma_wait3A_41 = tpu.memref_slice %arg6[%dma_wait3A, %dma_wait3A_40] : memref<80x80xf32, #tpu.memory_space<vmem>> -> memref<16x80xf32, #tpu.memory_space<vmem>>
        %dma_wait3A_42 = arith.constant 9984 : i32
        %dma_wait3A_43 = arith.constant 0 : i32
        %dma_wait3A_44 = tpu.memref_slice %arg7[%dma_wait3A_42, %dma_wait3A_43] : memref<10000x80xf32, #tpu.memory_space<vmem_shared>> -> memref<16x80xf32, #tpu.memory_space<vmem_shared>>
        %dma_wait3A_45 = arith.constant 9984 : i32
        %dma_wait3A_46 = arith.constant 0 : i32
        %dma_wait3A_47 = tpu.memref_slice %arg7[%dma_wait3A_45, %dma_wait3A_46] : memref<10000x80xf32, #tpu.memory_space<vmem_shared>> -> memref<16x80xf32, #tpu.memory_space<vmem_shared>>
        %dma_wait3A_48 = arith.constant 0 : i32
        %dma_wait3A_49 = arith.constant 0 : i32
        %dma_wait3A_50 = tpu.memref_slice %arg6[%dma_wait3A_48, %dma_wait3A_49] : memref<80x80xf32, #tpu.memory_space<vmem>> -> memref<16x80xf32, #tpu.memory_space<vmem>>
        tpu.wait_dma2 semaphore(%run_scoped3A : memref<!tpu.dma_semaphore, #tpu.memory_space<semaphore_mem>>) src(%dma_wait3A_50 : memref<16x80xf32, #tpu.memory_space<vmem>>) dst(%dma_wait3A_47 : memref<16x80xf32, #tpu.memory_space<vmem_shared>>)
        tpu.yield
      }) : () -> ()
    } else {
    }
    %barrier3A = arith.constant 0 : index
    tpu.barrier barrier_id(%barrier3A)
    %mul3A_14 = arith.constant 20000 : i32
    %mul3A_15 = arith.muli %arg1, %mul3A_14 : i32
    %add3A_16 = arith.constant 320000 : i32
    %add3A_17 = arith.addi %add3A_16, %mul3A_15 : i32
    %scan3A_18 = arith.constant 0 : i32
    %scan3A_19 = arith.constant 250 : i32
    %scan3A_20 = arith.addi %scan3A_18, %scan3A_19 : i32
    %scan3A_21 = arith.constant 1 : i32
    scf.for %scan3A_29 = %scan3A_18 to %scan3A_20 step %scan3A_21  : i32 {
      %mul3A_30 = arith.constant 80 : i32
      %mul3A_31 = arith.muli %scan3A_29, %mul3A_30 : i32
      %add3A_32 = arith.constant 0 : i32
      %add3A_33 = arith.addi %add3A_32, %mul3A_31 : i32
      %add3A_34 = arith.addi %add3A_17, %add3A_33 : i32
      "tpu.region"() ({
        %run_scoped3A = tpu.sem_alloc : memref<!tpu.dma_semaphore, #tpu.memory_space<semaphore_mem>>
        %dma_start3A = tpu.memref_slice %arg3[%add3A_34] : memref<640000xi32, #tpu.memory_space<hbm>> -> memref<80xi32, #tpu.memory_space<hbm>>
        %dma_start3A_36 = tpu.memref_slice %arg3[%add3A_34] : memref<640000xi32, #tpu.memory_space<hbm>> -> memref<80xi32, #tpu.memory_space<hbm>>
        tpu.enqueue_dma source(%dma_start3A_36 : memref<80xi32, #tpu.memory_space<hbm>>) target(%arg5 : memref<80xi32, #tpu.memory_space<vmem>>) target_semaphore(%run_scoped3A : memref<!tpu.dma_semaphore, #tpu.memory_space<semaphore_mem>>)
        %dma_wait3A = tpu.memref_slice %arg3[%add3A_34] : memref<640000xi32, #tpu.memory_space<hbm>> -> memref<80xi32, #tpu.memory_space<hbm>>
        %dma_wait3A_37 = tpu.memref_slice %arg3[%add3A_34] : memref<640000xi32, #tpu.memory_space<hbm>> -> memref<80xi32, #tpu.memory_space<hbm>>
        tpu.wait_dma2 semaphore(%run_scoped3A : memref<!tpu.dma_semaphore, #tpu.memory_space<semaphore_mem>>) src(%dma_wait3A_37 : memref<80xi32, #tpu.memory_space<hbm>>) dst(%arg5 : memref<80xi32, #tpu.memory_space<vmem>>)
        tpu.yield
      }) : () -> ()
      %add3A_35 = arith.addi %add3A_17, %add3A_33 : i32
      "tpu.region"() ({
        %run_scoped3A = tpu.sem_alloc : memref<!tpu.dma_semaphore, #tpu.memory_space<semaphore_mem>>
        %dma_start3A = arith.constant 0 : i32
        %dma_start3A_36 = arith.constant 0 : i32
        %dma_start3A_37 = tpu.memref_slice %arg2[%arg0, %dma_start3A, %dma_start3A_36] : memref<2x320000x80xf32, #tpu.memory_space<hbm>> -> memref<1x320000x80xf32, #tpu.memory_space<hbm>>
        %dma_start3A_38 = tpu.memref_squeeze %dma_start3A_37 : memref<1x320000x80xf32, #tpu.memory_space<hbm>> -> memref<320000x80xf32, #tpu.memory_space<hbm>>
        %dma_start3A_39 = arith.constant 0 : i32
        %dma_start3A_40 = tpu.memref_slice %dma_start3A_38[%add3A_35, %dma_start3A_39] : memref<320000x80xf32, #tpu.memory_space<hbm>> -> memref<80x80xf32, #tpu.memory_space<hbm>>
        %dma_start3A_41 = arith.constant 0 : i32
        %dma_start3A_42 = arith.constant 0 : i32
        %dma_start3A_43 = tpu.memref_slice %arg2[%arg0, %dma_start3A_41, %dma_start3A_42] : memref<2x320000x80xf32, #tpu.memory_space<hbm>> -> memref<1x320000x80xf32, #tpu.memory_space<hbm>>
        %dma_start3A_44 = tpu.memref_squeeze %dma_start3A_43 : memref<1x320000x80xf32, #tpu.memory_space<hbm>> -> memref<320000x80xf32, #tpu.memory_space<hbm>>
        %dma_start3A_45 = arith.constant 0 : i32
        %dma_start3A_46 = tpu.memref_slice %dma_start3A_44[%add3A_35, %dma_start3A_45] : memref<320000x80xf32, #tpu.memory_space<hbm>> -> memref<80x80xf32, #tpu.memory_space<hbm>>
        tpu.enqueue_dma source(%dma_start3A_46 : memref<80x80xf32, #tpu.memory_space<hbm>>) target(%arg6 : memref<80x80xf32, #tpu.memory_space<vmem>>) target_semaphore(%run_scoped3A : memref<!tpu.dma_semaphore, #tpu.memory_space<semaphore_mem>>)
        %dma_wait3A = arith.constant 0 : i32
        %dma_wait3A_47 = arith.constant 0 : i32
        %dma_wait3A_48 = tpu.memref_slice %arg2[%arg0, %dma_wait3A, %dma_wait3A_47] : memref<2x320000x80xf32, #tpu.memory_space<hbm>> -> memref<1x320000x80xf32, #tpu.memory_space<hbm>>
        %dma_wait3A_49 = tpu.memref_squeeze %dma_wait3A_48 : memref<1x320000x80xf32, #tpu.memory_space<hbm>> -> memref<320000x80xf32, #tpu.memory_space<hbm>>
        %dma_wait3A_50 = arith.constant 0 : i32
        %dma_wait3A_51 = tpu.memref_slice %dma_wait3A_49[%add3A_35, %dma_wait3A_50] : memref<320000x80xf32, #tpu.memory_space<hbm>> -> memref<80x80xf32, #tpu.memory_space<hbm>>
        %dma_wait3A_52 = arith.constant 0 : i32
        %dma_wait3A_53 = arith.constant 0 : i32
        %dma_wait3A_54 = tpu.memref_slice %arg2[%arg0, %dma_wait3A_52, %dma_wait3A_53] : memref<2x320000x80xf32, #tpu.memory_space<hbm>> -> memref<1x320000x80xf32, #tpu.memory_space<hbm>>
        %dma_wait3A_55 = tpu.memref_squeeze %dma_wait3A_54 : memref<1x320000x80xf32, #tpu.memory_space<hbm>> -> memref<320000x80xf32, #tpu.memory_space<hbm>>
        %dma_wait3A_56 = arith.constant 0 : i32
        %dma_wait3A_57 = tpu.memref_slice %dma_wait3A_55[%add3A_35, %dma_wait3A_56] : memref<320000x80xf32, #tpu.memory_space<hbm>> -> memref<80x80xf32, #tpu.memory_space<hbm>>
        tpu.wait_dma2 semaphore(%run_scoped3A : memref<!tpu.dma_semaphore, #tpu.memory_space<semaphore_mem>>) src(%dma_wait3A_57 : memref<80x80xf32, #tpu.memory_space<hbm>>) dst(%arg6 : memref<80x80xf32, #tpu.memory_space<vmem>>)
        tpu.yield
      }) : () -> ()
      "tpu.region"() ({
        %run_scoped3A = tpu.sem_alloc : memref<!tpu.dma_semaphore, #tpu.memory_space<semaphore_mem>>
        %dma_start3A = arith.constant 0 : i32
        %dma_start3A_36 = arith.constant 0 : i32
        %dma_start3A_37 = tpu.memref_slice %arg7[%dma_start3A, %dma_start3A_36] : memref<10000x80xf32, #tpu.memory_space<vmem_shared>> -> memref<10000x80xf32, #tpu.memory_space<vmem_shared>>
        tpu.enqueue_indirect_dma source(%arg6 : memref<80x80xf32, #tpu.memory_space<vmem>>) target(%dma_start3A_37 : memref<10000x80xf32, #tpu.memory_space<vmem_shared>>) offsets(%arg5 : memref<80xi32, #tpu.memory_space<vmem>>) semaphore(%run_scoped3A : memref<!tpu.dma_semaphore, #tpu.memory_space<semaphore_mem>>) {add = true}
        %dma_wait3A = arith.constant 0 : i32
        %dma_wait3A_38 = arith.constant 0 : i32
        %dma_wait3A_39 = tpu.memref_slice %arg7[%dma_wait3A, %dma_wait3A_38] : memref<10000x80xf32, #tpu.memory_space<vmem_shared>> -> memref<10000x80xf32, #tpu.memory_space<vmem_shared>>
        tpu.wait_indirect_dma semaphore(%run_scoped3A : memref<!tpu.dma_semaphore, #tpu.memory_space<semaphore_mem>>) src(%arg6 : memref<80x80xf32, #tpu.memory_space<vmem>>) dst(%dma_wait3A_39 : memref<10000x80xf32, #tpu.memory_space<vmem_shared>>)
        tpu.yield
      }) : () -> ()
    }
    %scan3A_22 = arith.constant 250 : i32
    %barrier3A_23 = arith.constant 0 : index
    tpu.barrier barrier_id(%barrier3A_23)
    "tpu.region"() ({
      %run_scoped3A = tpu.sem_alloc : memref<!tpu.dma_semaphore, #tpu.memory_space<semaphore_mem>>
      %dma_start3A = arith.constant 0 : i32
      %dma_start3A_29 = arith.constant 0 : i32
      %dma_start3A_30 = tpu.memref_slice %arg4[%arg0, %dma_start3A, %dma_start3A_29] : memref<2x10000x80xf32, #tpu.memory_space<hbm>> -> memref<1x10000x80xf32, #tpu.memory_space<hbm>>
      %dma_start3A_31 = tpu.memref_squeeze %dma_start3A_30 : memref<1x10000x80xf32, #tpu.memory_space<hbm>> -> memref<10000x80xf32, #tpu.memory_space<hbm>>
      %dma_start3A_32 = arith.constant 0 : i32
      %dma_start3A_33 = tpu.memref_slice %dma_start3A_31[%mul3A_4, %dma_start3A_32] : memref<10000x80xf32, #tpu.memory_space<hbm>> -> memref<624x80xf32, #tpu.memory_space<hbm>>
      %dma_start3A_34 = arith.constant 0 : i32
      %dma_start3A_35 = tpu.memref_slice %arg7[%mul3A_4, %dma_start3A_34] : memref<10000x80xf32, #tpu.memory_space<vmem_shared>> -> memref<624x80xf32, #tpu.memory_space<vmem_shared>>
      tpu.enqueue_dma source(%dma_start3A_35 : memref<624x80xf32, #tpu.memory_space<vmem_shared>>) target(%dma_start3A_33 : memref<624x80xf32, #tpu.memory_space<hbm>>) target_semaphore(%run_scoped3A : memref<!tpu.dma_semaphore, #tpu.memory_space<semaphore_mem>>)
      %dma_wait3A = arith.constant 0 : i32
      %dma_wait3A_36 = arith.constant 0 : i32
      %dma_wait3A_37 = tpu.memref_slice %arg4[%arg0, %dma_wait3A, %dma_wait3A_36] : memref<2x10000x80xf32, #tpu.memory_space<hbm>> -> memref<1x10000x80xf32, #tpu.memory_space<hbm>>
      %dma_wait3A_38 = tpu.memref_squeeze %dma_wait3A_37 : memref<1x10000x80xf32, #tpu.memory_space<hbm>> -> memref<10000x80xf32, #tpu.memory_space<hbm>>
      %dma_wait3A_39 = arith.constant 0 : i32
      %dma_wait3A_40 = tpu.memref_slice %dma_wait3A_38[%mul3A_4, %dma_wait3A_39] : memref<10000x80xf32, #tpu.memory_space<hbm>> -> memref<624x80xf32, #tpu.memory_space<hbm>>
      %dma_wait3A_41 = arith.constant 0 : i32
      %dma_wait3A_42 = tpu.memref_slice %arg7[%mul3A_4, %dma_wait3A_41] : memref<10000x80xf32, #tpu.memory_space<vmem_shared>> -> memref<624x80xf32, #tpu.memory_space<vmem_shared>>
      tpu.wait_dma2 semaphore(%run_scoped3A : memref<!tpu.dma_semaphore, #tpu.memory_space<semaphore_mem>>) src(%dma_wait3A_42 : memref<624x80xf32, #tpu.memory_space<vmem_shared>>) dst(%dma_wait3A_40 : memref<624x80xf32, #tpu.memory_space<hbm>>)
      tpu.yield
    }) : () -> ()
    %eq3A_24 = arith.constant 15 : i32
    %eq3A_25 = arith.cmpi eq, %arg1, %eq3A_24 : i32
    %convert_element_type3A_26 = arith.extui %eq3A_25 : i1 to i32
    %cond3A_27 = arith.constant 0 : i32
    %cond3A_28 = arith.cmpi ne, %convert_element_type3A_26, %cond3A_27 : i32
    scf.if %cond3A_28 {
      "tpu.region"() ({
        %run_scoped3A = tpu.sem_alloc : memref<!tpu.dma_semaphore, #tpu.memory_space<semaphore_mem>>
        %dma_start3A = arith.constant 0 : i32
        %dma_start3A_29 = arith.constant 0 : i32
        %dma_start3A_30 = tpu.memref_slice %arg4[%arg0, %dma_start3A, %dma_start3A_29] : memref<2x10000x80xf32, #tpu.memory_space<hbm>> -> memref<1x10000x80xf32, #tpu.memory_space<hbm>>
        %dma_start3A_31 = tpu.memref_squeeze %dma_start3A_30 : memref<1x10000x80xf32, #tpu.memory_space<hbm>> -> memref<10000x80xf32, #tpu.memory_space<hbm>>
        %dma_start3A_32 = arith.constant 9984 : i32
        %dma_start3A_33 = arith.constant 0 : i32
        %dma_start3A_34 = tpu.memref_slice %dma_start3A_31[%dma_start3A_32, %dma_start3A_33] : memref<10000x80xf32, #tpu.memory_space<hbm>> -> memref<16x80xf32, #tpu.memory_space<hbm>>
        %dma_start3A_35 = arith.constant 9984 : i32
        %dma_start3A_36 = arith.constant 0 : i32
        %dma_start3A_37 = tpu.memref_slice %arg7[%dma_start3A_35, %dma_start3A_36] : memref<10000x80xf32, #tpu.memory_space<vmem_shared>> -> memref<16x80xf32, #tpu.memory_space<vmem_shared>>
        tpu.enqueue_dma source(%dma_start3A_37 : memref<16x80xf32, #tpu.memory_space<vmem_shared>>) target(%dma_start3A_34 : memref<16x80xf32, #tpu.memory_space<hbm>>) target_semaphore(%run_scoped3A : memref<!tpu.dma_semaphore, #tpu.memory_space<semaphore_mem>>)
        %dma_wait3A = arith.constant 0 : i32
        %dma_wait3A_38 = arith.constant 0 : i32
        %dma_wait3A_39 = tpu.memref_slice %arg4[%arg0, %dma_wait3A, %dma_wait3A_38] : memref<2x10000x80xf32, #tpu.memory_space<hbm>> -> memref<1x10000x80xf32, #tpu.memory_space<hbm>>
        %dma_wait3A_40 = tpu.memref_squeeze %dma_wait3A_39 : memref<1x10000x80xf32, #tpu.memory_space<hbm>> -> memref<10000x80xf32, #tpu.memory_space<hbm>>
        %dma_wait3A_41 = arith.constant 9984 : i32
        %dma_wait3A_42 = arith.constant 0 : i32
        %dma_wait3A_43 = tpu.memref_slice %dma_wait3A_40[%dma_wait3A_41, %dma_wait3A_42] : memref<10000x80xf32, #tpu.memory_space<hbm>> -> memref<16x80xf32, #tpu.memory_space<hbm>>
        %dma_wait3A_44 = arith.constant 9984 : i32
        %dma_wait3A_45 = arith.constant 0 : i32
        %dma_wait3A_46 = tpu.memref_slice %arg7[%dma_wait3A_44, %dma_wait3A_45] : memref<10000x80xf32, #tpu.memory_space<vmem_shared>> -> memref<16x80xf32, #tpu.memory_space<vmem_shared>>
        tpu.wait_dma2 semaphore(%run_scoped3A : memref<!tpu.dma_semaphore, #tpu.memory_space<semaphore_mem>>) src(%dma_wait3A_46 : memref<16x80xf32, #tpu.memory_space<vmem_shared>>) dst(%dma_wait3A_43 : memref<16x80xf32, #tpu.memory_space<hbm>>)
        tpu.yield
      }) : () -> ()
    } else {
    }
    return
  }
}

#map = affine_map<(d0, d1) -> (0, 0)>
#map1 = affine_map<(d0, d1) -> (0)>
module attributes {stable_mosaic.version = 14 : i64} {
  func.func @gather_kernel(%arg0: i32, %arg1: i32, %arg2: memref<10000x128xf32, #tpu.memory_space<hbm>>, %arg3: memref<640000xi32, #tpu.memory_space<hbm>>, %arg4: memref<320000x128xf32, #tpu.memory_space<hbm>>, %arg5: memref<40xi32, #tpu.memory_space<vmem>>, %arg6: memref<40x128xf32, #tpu.memory_space<vmem>>) attributes {dimension_semantics = [#tpu.dimension_semantics<core_parallel>, #tpu.dimension_semantics<subcore_parallel>], iteration_bounds = array<i64: 2, 16>, scalar_prefetch = 0 : i64, scratch_operands = 2 : i64, tpu.core_type = #tpu.core_type<sc_vector_subcore>, window_params = [{transform_indices = #map}, {transform_indices = #map1}, {transform_indices = #map}]} {
    %mul3A = arith.constant 16 : i32
    %mul3A_0 = arith.muli %arg0, %mul3A : i32
    %add3A = arith.addi %mul3A_0, %arg1 : i32
    %mul3A_1 = arith.constant 10000 : i32
    %mul3A_2 = arith.muli %add3A, %mul3A_1 : i32
    %add3A_3 = arith.constant 320000 : i32
    %add3A_4 = arith.addi %add3A_3, %mul3A_2 : i32
    %scan3A = arith.constant 0 : i32
    %scan3A_5 = arith.constant 250 : i32
    %scan3A_6 = arith.addi %scan3A, %scan3A_5 : i32
    %scan3A_7 = arith.constant 1 : i32
    scf.for %scan3A_9 = %scan3A to %scan3A_6 step %scan3A_7  : i32 {
      %mul3A_10 = arith.constant 40 : i32
      %mul3A_11 = arith.muli %scan3A_9, %mul3A_10 : i32
      %add3A_12 = arith.constant 0 : i32
      %add3A_13 = arith.addi %add3A_12, %mul3A_11 : i32
      %add3A_14 = arith.addi %add3A_4, %add3A_13 : i32
      "tpu.region"() ({
        %run_scoped3A = tpu.sem_alloc : memref<!tpu.dma_semaphore, #tpu.memory_space<semaphore_mem>>
        %dma_start3A = tpu.memref_slice %arg3[%add3A_14] : memref<640000xi32, #tpu.memory_space<hbm>> -> memref<40xi32, #tpu.memory_space<hbm>>
        %dma_start3A_16 = tpu.memref_slice %arg3[%add3A_14] : memref<640000xi32, #tpu.memory_space<hbm>> -> memref<40xi32, #tpu.memory_space<hbm>>
        tpu.enqueue_dma source(%dma_start3A_16 : memref<40xi32, #tpu.memory_space<hbm>>) target(%arg5 : memref<40xi32, #tpu.memory_space<vmem>>) target_semaphore(%run_scoped3A : memref<!tpu.dma_semaphore, #tpu.memory_space<semaphore_mem>>)
        %dma_wait3A = tpu.memref_slice %arg3[%add3A_14] : memref<640000xi32, #tpu.memory_space<hbm>> -> memref<40xi32, #tpu.memory_space<hbm>>
        %dma_wait3A_17 = tpu.memref_slice %arg3[%add3A_14] : memref<640000xi32, #tpu.memory_space<hbm>> -> memref<40xi32, #tpu.memory_space<hbm>>
        tpu.wait_dma2 semaphore(%run_scoped3A : memref<!tpu.dma_semaphore, #tpu.memory_space<semaphore_mem>>) src(%dma_wait3A_17 : memref<40xi32, #tpu.memory_space<hbm>>) dst(%arg5 : memref<40xi32, #tpu.memory_space<vmem>>)
        tpu.yield
      }) : () -> ()
      "tpu.region"() ({
        %run_scoped3A = tpu.sem_alloc : memref<!tpu.dma_semaphore, #tpu.memory_space<semaphore_mem>>
        %dma_start3A = arith.constant 0 : i32
        %dma_start3A_16 = arith.constant 0 : i32
        %dma_start3A_17 = tpu.memref_slice %arg2[%dma_start3A, %dma_start3A_16] : memref<10000x128xf32, #tpu.memory_space<hbm>> -> memref<10000x128xf32, #tpu.memory_space<hbm>>
        tpu.enqueue_indirect_dma source(%dma_start3A_17 : memref<10000x128xf32, #tpu.memory_space<hbm>>) target(%arg6 : memref<40x128xf32, #tpu.memory_space<vmem>>) offsets(%arg5 : memref<40xi32, #tpu.memory_space<vmem>>) semaphore(%run_scoped3A : memref<!tpu.dma_semaphore, #tpu.memory_space<semaphore_mem>>)
        %dma_wait3A = arith.constant 0 : i32
        %dma_wait3A_18 = arith.constant 0 : i32
        %dma_wait3A_19 = tpu.memref_slice %arg2[%dma_wait3A, %dma_wait3A_18] : memref<10000x128xf32, #tpu.memory_space<hbm>> -> memref<10000x128xf32, #tpu.memory_space<hbm>>
        tpu.wait_indirect_dma semaphore(%run_scoped3A : memref<!tpu.dma_semaphore, #tpu.memory_space<semaphore_mem>>) src(%dma_wait3A_19 : memref<10000x128xf32, #tpu.memory_space<hbm>>) dst(%arg6 : memref<40x128xf32, #tpu.memory_space<vmem>>)
        tpu.yield
      }) : () -> ()
      %add3A_15 = arith.addi %add3A_4, %add3A_13 : i32
      "tpu.region"() ({
        %run_scoped3A = tpu.sem_alloc : memref<!tpu.dma_semaphore, #tpu.memory_space<semaphore_mem>>
        %dma_start3A = arith.constant 0 : i32
        %dma_start3A_16 = tpu.memref_slice %arg4[%add3A_15, %dma_start3A] : memref<320000x128xf32, #tpu.memory_space<hbm>> -> memref<40x128xf32, #tpu.memory_space<hbm>>
        %dma_start3A_17 = arith.constant 0 : i32
        %dma_start3A_18 = tpu.memref_slice %arg4[%add3A_15, %dma_start3A_17] : memref<320000x128xf32, #tpu.memory_space<hbm>> -> memref<40x128xf32, #tpu.memory_space<hbm>>
        tpu.enqueue_dma source(%arg6 : memref<40x128xf32, #tpu.memory_space<vmem>>) target(%dma_start3A_18 : memref<40x128xf32, #tpu.memory_space<hbm>>) target_semaphore(%run_scoped3A : memref<!tpu.dma_semaphore, #tpu.memory_space<semaphore_mem>>)
        %dma_wait3A = arith.constant 0 : i32
        %dma_wait3A_19 = tpu.memref_slice %arg4[%add3A_15, %dma_wait3A] : memref<320000x128xf32, #tpu.memory_space<hbm>> -> memref<40x128xf32, #tpu.memory_space<hbm>>
        %dma_wait3A_20 = arith.constant 0 : i32
        %dma_wait3A_21 = tpu.memref_slice %arg4[%add3A_15, %dma_wait3A_20] : memref<320000x128xf32, #tpu.memory_space<hbm>> -> memref<40x128xf32, #tpu.memory_space<hbm>>
        tpu.wait_dma2 semaphore(%run_scoped3A : memref<!tpu.dma_semaphore, #tpu.memory_space<semaphore_mem>>) src(%arg6 : memref<40x128xf32, #tpu.memory_space<vmem>>) dst(%dma_wait3A_21 : memref<40x128xf32, #tpu.memory_space<hbm>>)
        tpu.yield
      }) : () -> ()
    }
    %scan3A_8 = arith.constant 250 : i32
    return
  }
}

module attributes {stable_mosaic.version = 14 : i64} {
  func.func @_final_body(%arg0: i32, %arg1: memref<2x2000x80xf32, #tpu.memory_space<vmem>>, %arg2: memref<128x128xf32, #tpu.memory_space<vmem>>, %arg3: memref<1x128xf32, #tpu.memory_space<vmem>>, %arg4: memref<2000x128xf32, #tpu.memory_space<vmem>>) attributes {dimension_semantics = [#tpu.dimension_semantics<arbitrary>], iteration_bounds = array<i64: 5>, scalar_prefetch = 0 : i64, scratch_operands = 0 : i64, tpu.core_type = #tpu.core_type<tc>, window_params = [{transform_indices = @transform_0, window_bounds = array<i64: 2, 2000, 80>}, {pipeline_mode = #tpu.pipeline_mode<synchronous>, transform_indices = @transform_1, window_bounds = array<i64: 128, 128>}, {pipeline_mode = #tpu.pipeline_mode<synchronous>, transform_indices = @transform_2, window_bounds = array<i64: 1, 128>}, {transform_indices = @transform_3, window_bounds = array<i64: 2000, 128>}]} {
    %get3A = arith.constant 0 : index
    %get3A_0 = arith.constant 0 : index
    %get3A_1 = arith.constant 0 : index
    %get3A_2 = vector.load %arg1[%get3A, %get3A_0, %get3A_1] : memref<2x2000x80xf32, #tpu.memory_space<vmem>>, vector<1x2000x80xf32>
    %get3A_3 = vector.shape_cast %get3A_2 : vector<1x2000x80xf32> to vector<2000x80xf32>
    %slice3A = vector.extract_strided_slice %get3A_3 {offsets = [0, 0], sizes = [2000, 64], strides = [1, 1]} : vector<2000x80xf32> to vector<2000x64xf32>
    %get3A_4 = arith.constant 1 : index
    %get3A_5 = arith.constant 0 : index
    %get3A_6 = arith.constant 0 : index
    %get3A_7 = vector.load %arg1[%get3A_4, %get3A_5, %get3A_6] : memref<2x2000x80xf32, #tpu.memory_space<vmem>>, vector<1x2000x80xf32>
    %get3A_8 = vector.shape_cast %get3A_7 : vector<1x2000x80xf32> to vector<2000x80xf32>
    %slice3A_9 = vector.extract_strided_slice %get3A_8 {offsets = [0, 0], sizes = [2000, 64], strides = [1, 1]} : vector<2000x80xf32> to vector<2000x64xf32>
    %concatenate3A = tpu.concatenate %slice3A, %slice3A_9 in 1 : vector<2000x64xf32>, vector<2000x64xf32> -> vector<2000x128xf32>
    %get3A_10 = arith.constant 0 : index
    %get3A_11 = arith.constant 0 : index
    %get3A_12 = arith.constant 0 : index
    %get3A_13 = vector.load %arg1[%get3A_10, %get3A_11, %get3A_12] : memref<2x2000x80xf32, #tpu.memory_space<vmem>>, vector<1x2000x80xf32>
    %get3A_14 = vector.shape_cast %get3A_13 : vector<1x2000x80xf32> to vector<2000x80xf32>
    %slice3A_15 = vector.extract_strided_slice %get3A_14 {offsets = [0, 64], sizes = [2000, 8], strides = [1, 1]} : vector<2000x80xf32> to vector<2000x8xf32>
    %iota3A = tpu.iota {dimensions = array<i32: 0>} : vector<8x128xi32>
    %iota3A_16 = tpu.iota {dimensions = array<i32: 1>} : vector<8x128xi32>
    %jit3A = arith.constant 16 : i32
    %div3A = vector.broadcast %jit3A : i32 to vector<8x128xi32>
    %div3A_17 = arith.divsi %iota3A_16, %div3A : vector<8x128xi32>
    %sign3A = arith.constant 0 : i32
    %sign3A_18 = vector.broadcast %sign3A : i32 to vector<8x128xi32>
    %sign3A_19 = arith.cmpi sgt, %iota3A_16, %sign3A_18 : vector<8x128xi32>
    %sign3A_20 = arith.extui %sign3A_19 : vector<8x128xi1> to vector<8x128xi32>
    %sign3A_21 = arith.constant 0 : i32
    %sign3A_22 = vector.broadcast %sign3A_21 : i32 to vector<8x128xi32>
    %sign3A_23 = arith.cmpi slt, %iota3A_16, %sign3A_22 : vector<8x128xi32>
    %sign3A_24 = arith.extui %sign3A_23 : vector<8x128xi1> to vector<8x128xi32>
    %sign3A_25 = arith.subi %sign3A_20, %sign3A_24 : vector<8x128xi32>
    %sign3A_26 = arith.constant 0 : i32
    %sign3A_27 = arith.cmpi sgt, %jit3A, %sign3A_26 : i32
    %sign3A_28 = arith.extui %sign3A_27 : i1 to i32
    %sign3A_29 = arith.constant 0 : i32
    %sign3A_30 = arith.cmpi slt, %jit3A, %sign3A_29 : i32
    %sign3A_31 = arith.extui %sign3A_30 : i1 to i32
    %sign3A_32 = arith.subi %sign3A_28, %sign3A_31 : i32
    %ne3A = vector.broadcast %sign3A_32 : i32 to vector<8x128xi32>
    %ne3A_33 = arith.cmpi ne, %sign3A_25, %ne3A : vector<8x128xi32>
    %rem3A = vector.broadcast %jit3A : i32 to vector<8x128xi32>
    %rem3A_34 = arith.remsi %iota3A_16, %rem3A : vector<8x128xi32>
    %ne3A_35 = arith.constant 0 : i32
    %ne3A_36 = vector.broadcast %ne3A_35 : i32 to vector<8x128xi32>
    %ne3A_37 = arith.cmpi ne, %rem3A_34, %ne3A_36 : vector<8x128xi32>
    %and3A = arith.andi %ne3A_33, %ne3A_37 : vector<8x128xi1>
    %sub3A = arith.constant 1 : i32
    %sub3A_38 = vector.broadcast %sub3A : i32 to vector<8x128xi32>
    %sub3A_39 = arith.subi %div3A_17, %sub3A_38 : vector<8x128xi32>
    %select_n3A = arith.select %and3A, %sub3A_39, %div3A_17 : vector<8x128xi1>, vector<8x128xi32>
    %eq3A = arith.cmpi eq, %select_n3A, %iota3A : vector<8x128xi32>
    %convert_element_type3A = arith.extui %eq3A : vector<8x128xi1> to vector<8x128xi32>
    %convert_element_type3A_40 = arith.sitofp %convert_element_type3A : vector<8x128xi32> to vector<8x128xf32>
    %dot_general3A = arith.constant dense<0.000000e+00> : vector<2000x128xf32>
    %dot_general3A_41 = tpu.matmul %slice3A_15, %convert_element_type3A_40, %dot_general3A {dimension_numbers = #tpu.dot_dimension_numbers<[1], [0], [0], [1], [0, 0, 1, 1], [], []>, transpose_lhs_hint = false} : vector<2000x8xf32>, vector<8x128xf32>, vector<2000x128xf32> -> vector<2000x128xf32>
    %gt3A = arith.constant 0.000000e+00 : f32
    %gt3A_42 = vector.broadcast %gt3A : f32 to vector<2000x128xf32>
    %gt3A_43 = arith.cmpf ogt, %dot_general3A_41, %gt3A_42 : vector<2000x128xf32>
    %div3A_44 = arith.divf %concatenate3A, %dot_general3A_41 : vector<2000x128xf32>
    %jit3A_45 = arith.constant 0.000000e+00 : f32
    %broadcast_in_dim3A = vector.broadcast %jit3A_45 : f32 to vector<2000x128xf32>
    %select_n3A_46 = arith.select %gt3A_43, %div3A_44, %broadcast_in_dim3A : vector<2000x128xi1>, vector<2000x128xf32>
    %get3A_47 = arith.constant 0 : index
    %get3A_48 = arith.constant 0 : index
    %get3A_49 = vector.load %arg2[%get3A_47, %get3A_48] : memref<128x128xf32, #tpu.memory_space<vmem>>, vector<128x128xf32>
    %dot_general3A_50 = arith.constant dense<0.000000e+00> : vector<2000x128xf32>
    %dot_general3A_51 = tpu.matmul %select_n3A_46, %get3A_49, %dot_general3A_50 {dimension_numbers = #tpu.dot_dimension_numbers<[1], [0], [0], [1], [0, 0, 1, 1], [], []>, transpose_lhs_hint = false} : vector<2000x128xf32>, vector<128x128xf32>, vector<2000x128xf32> -> vector<2000x128xf32>
    %get3A_52 = arith.constant 0 : index
    %get3A_53 = arith.constant 0 : index
    %get3A_54 = vector.load %arg3[%get3A_52, %get3A_53] : memref<1x128xf32, #tpu.memory_space<vmem>>, vector<1x128xf32>
    %add3A = vector.broadcast %get3A_54 : vector<1x128xf32> to vector<2000x128xf32>
    %add3A_55 = arith.addf %dot_general3A_51, %add3A : vector<2000x128xf32>
    %swap3A = arith.constant 0 : index
    %swap3A_56 = arith.constant 0 : index
    %swap3A_57 = vector.load %arg4[%swap3A, %swap3A_56] : memref<2000x128xf32, #tpu.memory_space<vmem>>, vector<2000x128xf32>
    tpu.vector_store %arg4[%swap3A, %swap3A_56], %add3A_55 {strides = array<i32>} : memref<2000x128xf32, #tpu.memory_space<vmem>>, vector<2000x128xf32>,
    return
  }
  func.func @transform_0(%arg0: i32) -> (i32, i32, i32) {
    %c0_i32 = arith.constant 0 : i32
    %c0_i32_0 = arith.constant 0 : i32
    %c0_i32_1 = arith.constant 0 : i32
    return %c0_i32, %arg0, %c0_i32_0 : i32, i32, i32
  }
  func.func @transform_1(%arg0: i32) -> (i32, i32) {
    %c0_i32 = arith.constant 0 : i32
    %c0_i32_0 = arith.constant 0 : i32
    %c0_i32_1 = arith.constant 0 : i32
    return %c0_i32, %c0_i32_0 : i32, i32
  }
  func.func @transform_2(%arg0: i32) -> (i32, i32) {
    %c0_i32 = arith.constant 0 : i32
    %c0_i32_0 = arith.constant 0 : i32
    %c0_i32_1 = arith.constant 0 : i32
    return %c0_i32, %c0_i32_0 : i32, i32
  }
  func.func @transform_3(%arg0: i32) -> (i32, i32) {
    %c0_i32 = arith.constant 0 : i32
    %c0_i32_0 = arith.constant 0 : i32
    return %arg0, %c0_i32 : i32, i32
  }
}

module attributes {stable_mosaic.version = 14 : i64} {
  func.func @_edge_body(%arg0: i32, %arg1: memref<2000x128xf32, #tpu.memory_space<vmem>>, %arg2: memref<2000x128xf32, #tpu.memory_space<vmem>>, %arg3: memref<128x128xf32, #tpu.memory_space<vmem>>, %arg4: memref<1x128xf32, #tpu.memory_space<vmem>>, %arg5: memref<128x256xf32, #tpu.memory_space<vmem>>, %arg6: memref<1x256xf32, #tpu.memory_space<vmem>>, %arg7: memref<2x2000x80xf32, #tpu.memory_space<vmem>>) attributes {dimension_semantics = [#tpu.dimension_semantics<arbitrary>], iteration_bounds = array<i64: 160>, scalar_prefetch = 0 : i64, scratch_operands = 0 : i64, tpu.core_type = #tpu.core_type<tc>, window_params = [{transform_indices = @transform_0, window_bounds = array<i64: 2000, 128>}, {transform_indices = @transform_1, window_bounds = array<i64: 2000, 128>}, {pipeline_mode = #tpu.pipeline_mode<synchronous>, transform_indices = @transform_2, window_bounds = array<i64: 128, 128>}, {pipeline_mode = #tpu.pipeline_mode<synchronous>, transform_indices = @transform_3, window_bounds = array<i64: 1, 128>}, {pipeline_mode = #tpu.pipeline_mode<synchronous>, transform_indices = @transform_4, window_bounds = array<i64: 128, 256>}, {pipeline_mode = #tpu.pipeline_mode<synchronous>, transform_indices = @transform_5, window_bounds = array<i64: 1, 256>}, {transform_indices = @transform_6, window_bounds = array<i64: 2, 2000, 80>}]} {
    %get3A = arith.constant 0 : index
    %get3A_0 = arith.constant 0 : index
    %get3A_1 = vector.load %arg2[%get3A, %get3A_0] : memref<2000x128xf32, #tpu.memory_space<vmem>>, vector<2000x128xf32>
    %get3A_2 = arith.constant 0 : index
    %get3A_3 = arith.constant 0 : index
    %get3A_4 = vector.load %arg3[%get3A_2, %get3A_3] : memref<128x128xf32, #tpu.memory_space<vmem>>, vector<128x128xf32>
    %dot_general3A = arith.constant dense<0.000000e+00> : vector<2000x128xf32>
    %dot_general3A_5 = tpu.matmul %get3A_1, %get3A_4, %dot_general3A {dimension_numbers = #tpu.dot_dimension_numbers<[1], [0], [0], [1], [0, 0, 1, 1], [], []>, transpose_lhs_hint = false} : vector<2000x128xf32>, vector<128x128xf32>, vector<2000x128xf32> -> vector<2000x128xf32>
    %get3A_6 = arith.constant 0 : index
    %get3A_7 = arith.constant 0 : index
    %get3A_8 = vector.load %arg4[%get3A_6, %get3A_7] : memref<1x128xf32, #tpu.memory_space<vmem>>, vector<1x128xf32>
    %add3A = vector.broadcast %get3A_8 : vector<1x128xf32> to vector<2000x128xf32>
    %add3A_9 = arith.addf %dot_general3A_5, %add3A : vector<2000x128xf32>
    %mul3A = arith.constant 2.500000e-01 : f32
    %mul3A_10 = vector.broadcast %mul3A : f32 to vector<2000x128xf32>
    %mul3A_11 = arith.mulf %add3A_9, %mul3A_10 : vector<2000x128xf32>
    %get3A_12 = arith.constant 0 : index
    %get3A_13 = arith.constant 0 : index
    %get3A_14 = vector.load %arg1[%get3A_12, %get3A_13] : memref<2000x128xf32, #tpu.memory_space<vmem>>, vector<2000x128xf32>
    %get3A_15 = arith.constant 0 : index
    %get3A_16 = arith.constant 0 : index
    %get3A_17 = vector.load %arg5[%get3A_15, %get3A_16] : memref<128x256xf32, #tpu.memory_space<vmem>>, vector<128x256xf32>
    %dot_general3A_18 = arith.constant dense<0.000000e+00> : vector<2000x256xf32>
    %dot_general3A_19 = tpu.matmul %get3A_14, %get3A_17, %dot_general3A_18 {dimension_numbers = #tpu.dot_dimension_numbers<[1], [0], [0], [1], [0, 0, 1, 1], [], []>, transpose_lhs_hint = false} : vector<2000x128xf32>, vector<128x256xf32>, vector<2000x256xf32> -> vector<2000x256xf32>
    %get3A_20 = arith.constant 0 : index
    %get3A_21 = arith.constant 0 : index
    %get3A_22 = vector.load %arg6[%get3A_20, %get3A_21] : memref<1x256xf32, #tpu.memory_space<vmem>>, vector<1x256xf32>
    %add3A_23 = vector.broadcast %get3A_22 : vector<1x256xf32> to vector<2000x256xf32>
    %add3A_24 = arith.addf %dot_general3A_19, %add3A_23 : vector<2000x256xf32>
    %slice3A = vector.extract_strided_slice %add3A_24 {offsets = [0, 0], sizes = [2000, 128], strides = [1, 1]} : vector<2000x256xf32> to vector<2000x128xf32>
    %slice3A_25 = vector.extract_strided_slice %add3A_24 {offsets = [0, 128], sizes = [2000, 128], strides = [1, 1]} : vector<2000x256xf32> to vector<2000x128xf32>
    %mul3A_26 = arith.mulf %mul3A_11, %slice3A : vector<2000x128xf32>
    %iota3A = tpu.iota {dimensions = array<i32: 0>} : vector<128x8xi32>
    %iota3A_27 = tpu.iota {dimensions = array<i32: 1>} : vector<128x8xi32>
    %jit3A = arith.constant 16 : i32
    %div3A = vector.broadcast %jit3A : i32 to vector<128x8xi32>
    %div3A_28 = arith.divsi %iota3A, %div3A : vector<128x8xi32>
    %sign3A = arith.constant 0 : i32
    %sign3A_29 = vector.broadcast %sign3A : i32 to vector<128x8xi32>
    %sign3A_30 = arith.cmpi sgt, %iota3A, %sign3A_29 : vector<128x8xi32>
    %sign3A_31 = arith.extui %sign3A_30 : vector<128x8xi1> to vector<128x8xi32>
    %sign3A_32 = arith.constant 0 : i32
    %sign3A_33 = vector.broadcast %sign3A_32 : i32 to vector<128x8xi32>
    %sign3A_34 = arith.cmpi slt, %iota3A, %sign3A_33 : vector<128x8xi32>
    %sign3A_35 = arith.extui %sign3A_34 : vector<128x8xi1> to vector<128x8xi32>
    %sign3A_36 = arith.subi %sign3A_31, %sign3A_35 : vector<128x8xi32>
    %sign3A_37 = arith.constant 0 : i32
    %sign3A_38 = arith.cmpi sgt, %jit3A, %sign3A_37 : i32
    %sign3A_39 = arith.extui %sign3A_38 : i1 to i32
    %sign3A_40 = arith.constant 0 : i32
    %sign3A_41 = arith.cmpi slt, %jit3A, %sign3A_40 : i32
    %sign3A_42 = arith.extui %sign3A_41 : i1 to i32
    %sign3A_43 = arith.subi %sign3A_39, %sign3A_42 : i32
    %ne3A = vector.broadcast %sign3A_43 : i32 to vector<128x8xi32>
    %ne3A_44 = arith.cmpi ne, %sign3A_36, %ne3A : vector<128x8xi32>
    %rem3A = vector.broadcast %jit3A : i32 to vector<128x8xi32>
    %rem3A_45 = arith.remsi %iota3A, %rem3A : vector<128x8xi32>
    %ne3A_46 = arith.constant 0 : i32
    %ne3A_47 = vector.broadcast %ne3A_46 : i32 to vector<128x8xi32>
    %ne3A_48 = arith.cmpi ne, %rem3A_45, %ne3A_47 : vector<128x8xi32>
    %and3A = arith.andi %ne3A_44, %ne3A_48 : vector<128x8xi1>
    %sub3A = arith.constant 1 : i32
    %sub3A_49 = vector.broadcast %sub3A : i32 to vector<128x8xi32>
    %sub3A_50 = arith.subi %div3A_28, %sub3A_49 : vector<128x8xi32>
    %select_n3A = arith.select %and3A, %sub3A_50, %div3A_28 : vector<128x8xi1>, vector<128x8xi32>
    %eq3A = arith.cmpi eq, %select_n3A, %iota3A_27 : vector<128x8xi32>
    %convert_element_type3A = arith.extui %eq3A : vector<128x8xi1> to vector<128x8xi32>
    %convert_element_type3A_51 = arith.sitofp %convert_element_type3A : vector<128x8xi32> to vector<128x8xf32>
    %dot_general3A_52 = arith.constant dense<0.000000e+00> : vector<2000x8xf32>
    %dot_general3A_53 = tpu.matmul %mul3A_26, %convert_element_type3A_51, %dot_general3A_52 {dimension_numbers = #tpu.dot_dimension_numbers<[1], [0], [0], [1], [0, 0, 1, 1], [], []>, transpose_lhs_hint = false} : vector<2000x128xf32>, vector<128x8xf32>, vector<2000x8xf32> -> vector<2000x8xf32>
    %exp3A = math.exp %dot_general3A_53 : vector<2000x8xf32>
    %iota3A_54 = tpu.iota {dimensions = array<i32: 0>} : vector<8x128xi32>
    %iota3A_55 = tpu.iota {dimensions = array<i32: 1>} : vector<8x128xi32>
    %jit3A_56 = arith.constant 16 : i32
    %div3A_57 = vector.broadcast %jit3A_56 : i32 to vector<8x128xi32>
    %div3A_58 = arith.divsi %iota3A_55, %div3A_57 : vector<8x128xi32>
    %sign3A_59 = arith.constant 0 : i32
    %sign3A_60 = vector.broadcast %sign3A_59 : i32 to vector<8x128xi32>
    %sign3A_61 = arith.cmpi sgt, %iota3A_55, %sign3A_60 : vector<8x128xi32>
    %sign3A_62 = arith.extui %sign3A_61 : vector<8x128xi1> to vector<8x128xi32>
    %sign3A_63 = arith.constant 0 : i32
    %sign3A_64 = vector.broadcast %sign3A_63 : i32 to vector<8x128xi32>
    %sign3A_65 = arith.cmpi slt, %iota3A_55, %sign3A_64 : vector<8x128xi32>
    %sign3A_66 = arith.extui %sign3A_65 : vector<8x128xi1> to vector<8x128xi32>
    %sign3A_67 = arith.subi %sign3A_62, %sign3A_66 : vector<8x128xi32>
    %sign3A_68 = arith.constant 0 : i32
    %sign3A_69 = arith.cmpi sgt, %jit3A_56, %sign3A_68 : i32
    %sign3A_70 = arith.extui %sign3A_69 : i1 to i32
    %sign3A_71 = arith.constant 0 : i32
    %sign3A_72 = arith.cmpi slt, %jit3A_56, %sign3A_71 : i32
    %sign3A_73 = arith.extui %sign3A_72 : i1 to i32
    %sign3A_74 = arith.subi %sign3A_70, %sign3A_73 : i32
    %ne3A_75 = vector.broadcast %sign3A_74 : i32 to vector<8x128xi32>
    %ne3A_76 = arith.cmpi ne, %sign3A_67, %ne3A_75 : vector<8x128xi32>
    %rem3A_77 = vector.broadcast %jit3A_56 : i32 to vector<8x128xi32>
    %rem3A_78 = arith.remsi %iota3A_55, %rem3A_77 : vector<8x128xi32>
    %ne3A_79 = arith.constant 0 : i32
    %ne3A_80 = vector.broadcast %ne3A_79 : i32 to vector<8x128xi32>
    %ne3A_81 = arith.cmpi ne, %rem3A_78, %ne3A_80 : vector<8x128xi32>
    %and3A_82 = arith.andi %ne3A_76, %ne3A_81 : vector<8x128xi1>
    %sub3A_83 = arith.constant 1 : i32
    %sub3A_84 = vector.broadcast %sub3A_83 : i32 to vector<8x128xi32>
    %sub3A_85 = arith.subi %div3A_58, %sub3A_84 : vector<8x128xi32>
    %select_n3A_86 = arith.select %and3A_82, %sub3A_85, %div3A_58 : vector<8x128xi1>, vector<8x128xi32>
    %eq3A_87 = arith.cmpi eq, %select_n3A_86, %iota3A_54 : vector<8x128xi32>
    %convert_element_type3A_88 = arith.extui %eq3A_87 : vector<8x128xi1> to vector<8x128xi32>
    %convert_element_type3A_89 = arith.sitofp %convert_element_type3A_88 : vector<8x128xi32> to vector<8x128xf32>
    %dot_general3A_90 = arith.constant dense<0.000000e+00> : vector<2000x128xf32>
    %dot_general3A_91 = tpu.matmul %exp3A, %convert_element_type3A_89, %dot_general3A_90 {dimension_numbers = #tpu.dot_dimension_numbers<[1], [0], [0], [1], [0, 0, 1, 1], [], []>, transpose_lhs_hint = false} : vector<2000x8xf32>, vector<8x128xf32>, vector<2000x128xf32> -> vector<2000x128xf32>
    %mul3A_92 = arith.mulf %dot_general3A_91, %slice3A_25 : vector<2000x128xf32>
    %broadcast_in_dim3A = arith.constant 0.000000e+00 : f32
    %broadcast_in_dim3A_93 = vector.broadcast %broadcast_in_dim3A : f32 to vector<2000x8xf32>
    %concatenate3A = tpu.concatenate %exp3A, %broadcast_in_dim3A_93 in 1 : vector<2000x8xf32>, vector<2000x8xf32> -> vector<2000x16xf32>
    %slice3A_94 = vector.extract_strided_slice %mul3A_92 {offsets = [0, 0], sizes = [2000, 64], strides = [1, 1]} : vector<2000x128xf32> to vector<2000x64xf32>
    %concatenate3A_95 = tpu.concatenate %slice3A_94, %concatenate3A in 1 : vector<2000x64xf32>, vector<2000x16xf32> -> vector<2000x80xf32>
    %slice3A_96 = vector.extract_strided_slice %mul3A_92 {offsets = [0, 64], sizes = [2000, 64], strides = [1, 1]} : vector<2000x128xf32> to vector<2000x64xf32>
    %concatenate3A_97 = tpu.concatenate %slice3A_96, %concatenate3A in 1 : vector<2000x64xf32>, vector<2000x16xf32> -> vector<2000x80xf32>
    %stack3A = vector.shape_cast %concatenate3A_95 : vector<2000x80xf32> to vector<1x2000x80xf32>
    %stack3A_98 = vector.shape_cast %concatenate3A_97 : vector<2000x80xf32> to vector<1x2000x80xf32>
    %stack3A_99 = tpu.concatenate %stack3A, %stack3A_98 in 0 : vector<1x2000x80xf32>, vector<1x2000x80xf32> -> vector<2x2000x80xf32>
    %swap3A = arith.constant 0 : index
    %swap3A_100 = arith.constant 0 : index
    %swap3A_101 = arith.constant 0 : index
    %swap3A_102 = vector.load %arg7[%swap3A, %swap3A_100, %swap3A_101] : memref<2x2000x80xf32, #tpu.memory_space<vmem>>, vector<2x2000x80xf32>
    tpu.vector_store %arg7[%swap3A, %swap3A_100, %swap3A_101], %stack3A_99 {strides = array<i32>} : memref<2x2000x80xf32, #tpu.memory_space<vmem>>, vector<2x2000x80xf32>,
    return
  }
  func.func @transform_0(%arg0: i32) -> (i32, i32) {
    %c0_i32 = arith.constant 0 : i32
    %c0_i32_0 = arith.constant 0 : i32
    return %arg0, %c0_i32 : i32, i32
  }
  func.func @transform_1(%arg0: i32) -> (i32, i32) {
    %c0_i32 = arith.constant 0 : i32
    %c0_i32_0 = arith.constant 0 : i32
    return %arg0, %c0_i32 : i32, i32
  }
  func.func @transform_2(%arg0: i32) -> (i32, i32) {
    %c0_i32 = arith.constant 0 : i32
    %c0_i32_0 = arith.constant 0 : i32
    %c0_i32_1 = arith.constant 0 : i32
    return %c0_i32, %c0_i32_0 : i32, i32
  }
  func.func @transform_3(%arg0: i32) -> (i32, i32) {
    %c0_i32 = arith.constant 0 : i32
    %c0_i32_0 = arith.constant 0 : i32
    %c0_i32_1 = arith.constant 0 : i32
    return %c0_i32, %c0_i32_0 : i32, i32
  }
  func.func @transform_4(%arg0: i32) -> (i32, i32) {
    %c0_i32 = arith.constant 0 : i32
    %c0_i32_0 = arith.constant 0 : i32
    %c0_i32_1 = arith.constant 0 : i32
    return %c0_i32, %c0_i32_0 : i32, i32
  }
  func.func @transform_5(%arg0: i32) -> (i32, i32) {
    %c0_i32 = arith.constant 0 : i32
    %c0_i32_0 = arith.constant 0 : i32
    %c0_i32_1 = arith.constant 0 : i32
    return %c0_i32, %c0_i32_0 : i32, i32
  }
  func.func @transform_6(%arg0: i32) -> (i32, i32, i32) {
    %c0_i32 = arith.constant 0 : i32
    %c0_i32_0 = arith.constant 0 : i32
    %c0_i32_1 = arith.constant 0 : i32
    return %c0_i32, %arg0, %c0_i32_0 : i32, i32, i32
  }
}

</mosaic_0001>

<sc_bundles>
// kernel: kernel.6.cloned.1.call-start
scs
__scs_entry_jumppad:
0x0: {  	(pc) =	sbr.rel $0x88, $3  }
0x1: {  	(tag) =	ssettag $0x0;
	lr =	simm.s32 $0x1  }
0x2: {  	[smem:$0x3F98] =	sst lr;
	_ =	strace $0xD0000000  }
0x3: {  	_ = 	snop  }
0x4: {  	_ = 	snop  }
0x5: {  	_ = 	snop  }
0x6: {  	_ = 	snop  }
0x7: {  	_ = 	snop  }
__scs_overlays_trampoline_lowered:
0x8: {  	[smem:$0x3FA7] =	sst s0  }
0x9: {  	[smem:$0x3FA8] =	sst s1  }
0xa: {  	[smem:$0x3FA9] =	sst s2  }
0xb: {  	[smem:$0x3FAA] =	sst s3  }
0xc: {  	[smem:$0x3FAB] =	sst s4  }
0xd: {  	[smem:$0x3FAC] =	sst s5  }
0xe: {  	[smem:$0x3FAD] =	sst s6  }
0xf: {  	[smem:$0x3FAE] =	sst s7  }
0x10: {  	[smem:$0x3FAF] =	sst s8  }
0x11: {  	[smem:$0x3FB0] =	sst s9;
	s0 =	simm.s32 @!p0 $0x0  }
0x12: {  	s1 =	sld [smem:$0x3F96];
	s0 =	simm.s32 @p0 $0x1  }
0x13: {  	[smem:$0x3FB1] =	sst s0;
	s0 =	simm.s32 @!p1 $0x0  }
0x14: {  	s2 =	sld [smem:$0x3F95];
	s0 =	simm.s32 @p1 $0x1  }
0x15: {  	[smem:$0x3FB2] =	sst s0;
	s0 =	simm.s32 @!p2 $0x0  }
0x16: {  	s3 =	sld [smem:$0x3FDB];
	s0 =	simm.s32 @p2 $0x1  }
0x17: {  	s4 =	simm.s32 $0x1BF5;
	[smem:$0x3FB4] =	sst s0  }
0x18: {  	s0 =	sld [smem:$0x3F97];
	_ =	swait.ge [sflag:s4], $0x0  }
0x19: {  	s7 =	sld [smem:$0x3F98]  }
0x1a: {  	s8 =	sadd.s32 $0xFFFFE003, lr  }
0x1b: {  	s9 =	sadd.s32 $0xFFFFFEF7, lr;
	s5 =	simm.s32 $0xFFFFFFFF;
	p2 =	slt.u32 s8, $0xFFFFF086  }
0x1c: {  	p1 =	slt.u32 s9, $0xF7A;
	s5 =	simm.s32 @!p2 $0x0  }
0x1d: {  	s5 =	simm.s32 @p1 $0x1;
	p0 =	seq.s32 s7, s2  }
0x1e: {  	s7 =	smul.u32 @!p0 $0xF7A, s2;
	p2 =	seq.s32 @!p0 s5, $0x0  }
0x1f: {  	s9 =	smul.u32 $0xF7A, s1;
	s8 =	simm.s32 @!p0 $0x1BF5;
	p2 =	por !p2, p0  }
0x20: {  	[sflag:s8] =	ssyncset.s32 @!p0 $0xFFFFF086;
	s6 =	sadd.s32 @!p0 s3, s7;
	s7 =	simm.s32 @!p0 $0x108  }
0x21: {  	s3 =	sadd.s32 s3, s9;
	s6 =	sadd.s32 @!p0 $0x88, s6;
	s7 =	simm.s32 @p2 $0x1082  }
0x22: {  	[simem:s7], [sflag:s8] =	dma.local @!p0 [hbm:s6], $0xF7A  }
0x23: {  	s9 =	sor.u32 $0xD0000000, s2;
	s6 =	simm.s32 $0x108;
	_ =	swait.ge @!p0 [sflag:s8], $0x0  }
0x24: {  	s3 =	sadd.s32 $0x88, s3;
	s6 =	simm.s32 @!p1 $0x1082;
	[sflag:s4] =	ssyncset.s32 $0xFFFFF086  }
0x25: {  	[simem:s6], [sflag:s4] =	dma.local [hbm:s3], $0xF7A  }
0x26: {  	[smem:$0x3F98] =	sst s1;
	(tag) =	ssettag s2;
	_ =	strace s9  }
0x27: {  	s1 =	sld [smem:$0x3FA8]  }
0x28: {  	s2 =	sld [smem:$0x3FA9]  }
0x29: {  	s4 =	sld [smem:$0x3FAB]  }
0x2a: {  	p0 =	seq.s32 s5, $0x0;
	s5 =	sld [smem:$0x3FAC]  }
0x2b: {  	s6 =	sld [smem:$0x3FAD]  }
0x2c: {  	s7 =	sld [smem:$0x3FAE]  }
0x2d: {  	s3 =	simm.s32 $0x108;
	s8 =	sld [smem:$0x3FAF]  }
0x2e: {  	s3 =	simm.s32 @!p0 $0x1082;
	s9 =	sld [smem:$0x3FB0]  }
0x2f: {  	lr =	sadd.s32 s0, s3;
	s0 =	sld [smem:$0x3FA7]  }
0x30: {  	s3 =	sld [smem:$0x3FAA]  }
0x31: {  	[smem:$0x3FB3] =	sst s10  }
0x32: {  	s10 =	sld [smem:$0x3FB1];
	_ =	sdelay $0x3  }
0x33: {  	p0 =	seq.s32 s10, $0x1;
	s10 =	sld [smem:$0x3FB3];
	_ =	sdelay $0x3  }
0x34: {  	[smem:$0x3FB3] =	sst s10  }
0x35: {  	s10 =	sld [smem:$0x3FB2];
	_ =	sdelay $0x3  }
0x36: {  	p1 =	seq.s32 s10, $0x1;
	s10 =	sld [smem:$0x3FB3];
	_ =	sdelay $0x3  }
0x37: {  	[smem:$0x3FB3] =	sst s10  }
0x38: {  	s10 =	sld [smem:$0x3FB4]  }
0x39: {  	_ = 	snop;
	(pc) =	sbr.ind lr, $3  }
0x3a: {  	_ = 	snop  }
0x3b: {  	_ = 	snop  }
0x3c: {  	p2 =	seq.s32 s10, $0x1;
	s10 =	sld [smem:$0x3FB3]  }
0x3d: {  	_ =	shalt  }
0x3e: {  	_ =	shalt  }
0x3f: {  	_ =	shalt  }
0x40: {  	_ =	shalt  }
0x41: {  	_ =	shalt  }
0x42: {  	_ =	shalt  }
0x43: {  	_ =	shalt  }
0x44: {  	_ =	shalt  }
0x45: {  	_ =	shalt  }
0x46: {  	_ =	shalt  }
0x47: {  	_ =	shalt  }
0x48: {  	_ =	shalt  }
0x49: {  	_ =	shalt  }
0x4a: {  	_ =	shalt  }
0x4b: {  	_ =	shalt  }
0x4c: {  	_ =	shalt  }
0x4d: {  	_ =	shalt  }
0x4e: {  	_ =	shalt  }
0x4f: {  	_ =	shalt  }
0x50: {  	_ =	shalt  }
0x51: {  	_ =	shalt  }
0x52: {  	_ =	shalt  }
0x53: {  	_ =	shalt  }
0x54: {  	_ =	shalt  }
0x55: {  	_ =	shalt  }
0x56: {  	_ =	shalt  }
0x57: {  	_ =	shalt  }
0x58: {  	_ =	shalt  }
0x59: {  	_ =	shalt  }
0x5a: {  	_ =	shalt  }
0x5b: {  	_ =	shalt  }
0x5c: {  	_ =	shalt  }
0x5d: {  	_ =	shalt  }
0x5e: {  	_ =	shalt  }
0x5f: {  	_ =	shalt  }
0x60: {  	_ =	shalt  }
0x61: {  	_ =	shalt  }
0x62: {  	_ =	shalt  }
0x63: {  	_ =	shalt  }
0x64: {  	_ =	shalt  }
0x65: {  	_ =	shalt  }
0x66: {  	_ =	shalt  }
0x67: {  	_ =	shalt  }
0x68: {  	_ =	shalt  }
0x69: {  	_ =	shalt  }
0x6a: {  	_ =	shalt  }
0x6b: {  	_ =	shalt  }
0x6c: {  	_ =	shalt  }
0x6d: {  	_ =	shalt  }
0x6e: {  	_ =	shalt  }
0x6f: {  	_ =	shalt  }
0x70: {  	_ =	shalt  }
0x71: {  	_ =	shalt  }
0x72: {  	_ =	shalt  }
0x73: {  	_ =	shalt  }
0x74: {  	_ =	shalt  }
0x75: {  	_ =	shalt  }
0x76: {  	_ =	shalt  }
0x77: {  	_ =	shalt  }
0x78: {  	_ =	shalt  }
0x79: {  	_ =	shalt  }
0x7a: {  	_ =	shalt  }
0x7b: {  	_ =	shalt  }
0x7c: {  	_ =	shalt  }
0x7d: {  	_ =	shalt  }
0x7e: {  	_ =	shalt  }
0x7f: {  	_ =	shalt  }
0x80: {  	_ =	shalt  }
0x81: {  	_ =	shalt  }
0x82: {  	_ =	shalt  }
0x83: {  	_ =	shalt  }
0x84: {  	_ =	shalt  }
0x85: {  	_ =	shalt  }
0x86: {  	_ =	shalt  }
0x87: {  	_ =	shalt  }
.Lfunc_end0:
.L_simem_size_0:
called_computation_lowered:
.L_overlay_start_0:
0x88: {  	s2 =	sld [smem:$0x3FD9]  }
0x89: {  	s3 =	sld [smem:$0x3FFE];
	_ =	sdelay $0x1  }
0x8a: {  	s1 =	srdreg.scid  }
0x8b: {  	s0 =	sand.u32 $0x1, s1  }
0x8c: {  	s17 =	sshll.u32 s0, $0xA;
	s2 =	sadd.s32 s3, s2  }
0x8d: {  	s2 =	sadd.s32 s2, s17  }
0x8e: {  	[smem:$0x3FBF] =	sst s2  }
0x8f: {  	_ = 	snop  }
0x90: {  	s2 =	sld [smem:$0x3FC9]  }
0x91: {  	s18 =	sld [smem:$0x3FD0];
	(tm) =	ssettm $0x1  }
0x92: {  	s4 =	sld [smem:$0x3FFB];
	_ =	sdelay $0x3  }
0x93: {  	_ =	strace s4  }
0x94: {  	s4 =	sld [smem:$0x3FFC];
	_ =	sdelay $0x3  }
0x95: {  	_ =	strace s4  }
0x96: {  	s4 =	sld [smem:$0x3FFD];
	_ =	sdelay $0x3  }
0x97: {  	_ =	strace s4  }
0x98: {  	_ =	strace $0x8FFFFFFF  }
0x99: {  	s19 =	sld [smem:$0x3FDB];
	_ =	sdelay $0x1  }
0x9a: {  	s5 =	simm.s32 $_scs_section_size  }
0x9b: {  	s6 =	simm.s32 $_size__tile_overlayer_lowered;
	s7 =	simm.s32 $_tile_overlayer_lowered  }
0x9c: {  	s22 =	simm.s32 $0x1BFF;
	s21 =	sshll.u32 s7, $0x1;
	s4 =	sadd.s32 s5, s19  }
0x9d: {  	s8 =	simm.s32 $0x0;
	s20 =	sshll.u32 s6, $0x1;
	s6 =	sadd.s32 s21, s4  }
0x9e: {  	[timem:s8], [sflag:s22] =	dma.local [hbm:s6], s20  }
0x9f: {  	_ =	swait.ge [sflag:s22], s20  }
0xa0: {  	s5 =	ssub.s32 $0x0, s20;
	[sflag:s22] =	ssyncset.done $0x0  }
0xa1: {  	[sflag:s22] =	ssyncadd.s32 s5;
	_ =	sdelay $0x1  }
0xa2: {  	s23 =	simm.s32 $0x1B8B  }
0xa3: {  	_ =	swait.ge [sflag:s23], $0x1  }
0xa4: {  	[sflag:s23] =	ssyncset.done $0x0  }
0xa5: {  	s25 =	simm.s32 $0x1B8E;
	s24 =	sld [smem:$0x3FFE];
	[sflag:s23] =	ssyncadd.s32 $0xFFFFFFFF  }
0xa6: {  	s26 =	simm.s32 $execute0_lowered;
	[smem:$0x3FD2] =	sst s25  }
0xa7: {  	s6 =	sshll.u32 s26, $0x1;
	_ =	strace $0x80000046;
	[dreg:$0x1] =	wrdreg $0xFFFFFFFF  }
0xa8: {  	s28 =	simm.s32 $_size_execute0_lowered;
	s4 =	sadd.s32 s4, s6;
	[dreg:$0x0] =	wrdreg $0x0  }
0xa9: {  	s6 =	sshll.u32 s28, $0x1;
	[dreg:$0x2] =	wrdreg s4  }
0xaa: {  	[dreg:$0x3] =	wrdreg s6  }
0xab: {  	[dreg:$0x4] =	wrdreg $0xC0  }
0xac: {  	_ =	task [dreg:s8], $0x5FFFF  }
0xad: {  	[dreg:$0x1] =	wrdreg $0xFFFFFFFF  }
0xae: {  	[dreg:$0x0] =	wrdreg $0x60  }
0xaf: {  	[dreg:$0x2] =	wrdreg s2  }
0xb0: {  	[dreg:$0x3] =	wrdreg s18  }
0xb1: {  	[dreg:$0x4] =	wrdreg s24  }
0xb2: {  	[dreg:$0x5] =	wrdreg $0x9  }
0xb3: {  	_ =	task.clear_ibuf [dreg:s8], $0x6FFFF;
	_ =	strace $0x90000046  }
0xb4: {  	s29 =	simm.s32 $0x9;
	_ =	strace $0x80000048  }
0xb5: {  	_ =	swait.ge [sflag:s29], $0x1  }
0xb6: {  	[sflag:s29] =	ssyncadd.s32 $0xFFFFFFFF  }
0xb7: {  	_ =	strace $0x90000048  }
0xb8: {  	_ =	sfence  }
0xb9: {  	s30 =	sld [smem:$0x0];
	_ =	sdelay $0x2  }
0xba: {  	s31 =	sshll.u32 s1, $0xD;
	s1 =	sshrl.u32 s1, $0x2  }
0xbb: {  	s3 =	sand.u32 $0x4000, s31;
	s1 =	sadd.s32 s1, s30  }
0xbc: {  	s0 =	sor.u32 s3, s0;
	s1 =	sshll.u32 s1, $0x11  }
0xbd: {  	s0 =	sor.u32 s1, s0  }
0xbe: {  	s0 =	sadd.s32 $0x8F2B, s0  }
0xbf: {  	[sflag:s0] =	ssyncadd.remote.s32 $0x1  }
0xc0: {  	_ =	sfence.sel $0xFFFF  }
0xc1: {  	[dreg:$0x0] =	wrdreg $0xFFFFFFFF;
	(pc) =	sbr.abs _section_cstart, $3  }
0xc2: {  	[dreg:$0x1] =	wrdreg $0xFFFFFFFF  }
0xc3: {  	_ =	task.clear_ibuf [dreg:s8], $0x2FFFF;
	_ =	strace $0x9FFFFFFF  }
0xc4: {  	(tm) =	ssettm $0x7FFFFFFF  }
0xc5: {  	_ =	shalt  }
tec
execute0_lowered:
.L_overlay_start_1:
0x0: {  	(tag) =	ssettag $0x1  }
0x1: {  	s1 =	rddreg [dreg:$0x0]  }
0x2: {  	s6 =	rddreg [dreg:$0x1]  }
0x3: {  	s4 =	rddreg [dreg:$0x2];
	s2 =	srdreg.scid  }
0x4: {  	s0 =	rddreg [dreg:$0x3];
	s5 =	sand.u32 $0x1, s2  }
0x5: {  	s3 =	simm.s32 $0x0;
	s2 =	stileid.u32;
	s7 =	smul.u32 $0x27100, s5  }
0x6: {  	[smem:$0x7FF] =	sst s3;
	s8 =	smul.u32 $0x2710, s2  }
0x7: {  	_ =	strace $0x80000047;
	s9 =	smul.u32 $0x271000, s5;
	s5 =	ssub.s32 $0x2, s5  }
0x8: {  	s26 =	smul.u32 $0x27100, s2;
	s10 =	sshrl.u32 s5, $0x1;
	s7 =	sadd.s32 s8, s7  }
0x9: {  	s9 =	sadd.s32 s9, s4;
	s28 =	ssub.s32 s5, s10;
	s8 =	simm.s32 $0x28  }
0xa: {  	s10 =	simm.s32 $0x0;
	s29 =	sadd.s32 $0x4E200, s7;
	s4 =	smax.u32 s28, $0x1  }
0xb: {  	s30 =	sadd.s32 s26, s9;
	s7 =	simm.s32 $0x1;
	s31 =	sshrl.u32 s29, $0x3  }
0xc: {  	s9 =	simm.s32 $0x80;
	s5 =	sadd.s32 $0x4E3600, s30;
	s6 =	sadd.s32 s31, s6  }
.LBB2_1:
0xd: {  	s11 =	sadd.s32 $0x0, s6  }
0xe: {  	[tilespmem:s3], [sflag:$0x1] =	stream.linear.gather [hbm4b:s11+s3], $0x28, $0x38;
	[tilespmem:$0x1480] =	vst v63  }
0xf: {  	_ =	swait.ge [sflag:s7], $0x28  }
0x10: {  	[sflag:s7] =	ssyncset.done $0x0  }
0x11: {  	[sflag:s7] =	ssyncadd.s32 $0xFFFFFFD8  }
0x12: {  	[tilespmem:s9], [sflag:$0x1] =	stream.indirect.gather [hbm4b:s1+s8], $0x80, s3, s8, $0xb8;
	[tilespmem:$0x1480] =	vst v63  }
0x13: {  	_ =	swait.ge [sflag:s7], $0x1400  }
0x14: {  	[sflag:s7] =	ssyncset.done $0x0  }
0x15: {  	[sflag:s7] =	ssyncadd.s32 $0xFFFFEC00  }
0x16: {  	[hbm4b:s5+s3] =	stream.linear.scatter [tilespmem:s9], [sflag:$0x1], $0x1400, $0x38;
	[tilespmem:$0x1480] =	vst v63  }
0x17: {  	s12 =	simm.s32 $0x5;
	_ =	swait.ge [sflag:s7], $0x1400  }
0x18: {  	s13 =	simm.s32 $0xA;
	s11 =	sadd.s32 $0x280, s5;
	[sflag:s7] =	ssyncset.done $0x0  }
.LBB2_2:
0x19: {  	s14 =	sadd.s32 s12, s6  }
0x1a: {  	[sflag:s7] =	ssyncadd.s32 $0xFFFFEC00;
	s12 =	smov.u32 s13;
	s15 =	sadd.s32 $0x5, s13  }
0x1b: {  	[tilespmem:s3], [sflag:$0x1] =	stream.linear.gather [hbm4b:s14+s3], $0x28, $0x38;
	[tilespmem:$0x1480] =	vst v63  }
0x1c: {  	p0 =	sne.s32 s13, $0x4DD;
	_ =	swait.ge [sflag:s7], $0x28  }
0x1d: {  	[sflag:s7] =	ssyncset.done $0x0  }
0x1e: {  	[sflag:s7] =	ssyncadd.s32 $0xFFFFFFD8  }
0x1f: {  	[tilespmem:s9], [sflag:$0x1] =	stream.indirect.gather [hbm4b:s1+s8], $0x80, s3, s8, $0xb8;
	[tilespmem:$0x1480] =	vst v63  }
0x20: {  	_ =	swait.ge [sflag:s7], $0x1400  }
.Ltmp0:
0x21: {  	[sflag:s7] =	ssyncset.done $0x0;
	(pc) =	sbr.rel @p0 .LBB2_2-.Ltmp0, $4  }
0x22: {  	[sflag:s7] =	ssyncadd.s32 $0xFFFFEC00  }
0x23: {  	[hbm4b:s11+s3] =	stream.linear.scatter [tilespmem:s9], [sflag:$0x1], $0x1400, $0x38;
	[tilespmem:$0x1480] =	vst v63  }
0x24: {  	_ =	swait.ge [sflag:s7], $0x1400  }
0x25: {  	s13 =	smov.u32 s15;
	s11 =	sadd.s32 $0x280, s11;
	[sflag:s7] =	ssyncset.done $0x0  }
0x26: {  	s12 =	sadd.s32 s12, s6;
	[sflag:s7] =	ssyncadd.s32 $0xFFFFEC00  }
0x27: {  	[tilespmem:s3], [sflag:$0x1] =	stream.linear.gather [hbm4b:s12+s3], $0x28, $0x38;
	[tilespmem:$0x1480] =	vst v63  }
0x28: {  	_ =	swait.ge [sflag:s7], $0x28  }
0x29: {  	[sflag:s7] =	ssyncset.done $0x0  }
0x2a: {  	[sflag:s7] =	ssyncadd.s32 $0xFFFFFFD8  }
0x2b: {  	[tilespmem:s9], [sflag:$0x1] =	stream.indirect.gather [hbm4b:s1+s8], $0x80, s3, s8, $0xb8;
	[tilespmem:$0x1480] =	vst v63  }
0x2c: {  	s10 =	sadd.s32 $0x1, s10;
	_ =	swait.ge [sflag:s7], $0x1400  }
0x2d: {  	p0 =	sne.s32 s10, s4;
	[sflag:s7] =	ssyncset.done $0x0  }
.Ltmp1:
0x2e: {  	[sflag:s7] =	ssyncadd.s32 $0xFFFFEC00;
	(pc) =	sbr.rel @p0 .LBB2_1-.Ltmp1, $4  }
0x2f: {  	[hbm4b:s11+s3] =	stream.linear.scatter [tilespmem:s9], [sflag:$0x1], $0x1400, $0x38;
	[tilespmem:$0x1480] =	vst v63  }
0x30: {  	_ =	swait.ge [sflag:s7], $0x1400  }
0x31: {  	[sflag:s7] =	ssyncset.done $0x0  }
0x32: {  	[sflag:s7] =	ssyncadd.s32 $0xFFFFEC00  }
0x33: {  	_ =	sfence.sel $0x180000  }
0x34: {  	[bflag:$0x0] =	sbarrier.arrive $0xFFFF  }
0x35: {  	p0 =	sne.s32 s2, $0x0;
	_ =	strace $0x90000047  }
0x36: {  	s0 =	sadd.s32 @!p0 $0x100000, s0;
	[bflag:$0x2] =	sbarrier.arrive $0xFFFF  }
0x37: {  	[sflag:s0] =	ssyncadd.tile.s32 @!p0 $0x1;
	_ =	shalt  }
.Lfunc_end2:
_tile_overlayer_lowered:
.L_overlay_start_2:
0x38: {  	(tag) =	ssettag $0x2  }
0x39: {  	s0 =	rddreg [dreg:$0x0];
	s2 =	stileid.u32  }
0x3a: {  	s1 =	rddreg [dreg:$0x1];
	p0 =	sne.s32 s2, $0x0  }
0x3b: {  	s3 =	rddreg [dreg:$0x2];
	[bflag:$0x3] =	sbarrier.arrive $0xFFFF;
	s2 =	simm.s32 @!p0 $0x1C01  }
0x3c: {  	[timem:s3], [sflag:s2] =	dma.local @!p0 [hbm:s0], s1  }
0x3d: {  	s0 =	simm.s32 @!p0 $0x1  }
0x3e: {  	_ =	swait.ge @!p0 [sflag:s0], s1  }
0x3f: {  	s1 =	ssub.s32 @!p0 $0x0, s1;
	[sflag:s0] =	ssyncset.done @!p0 $0x0  }
0x40: {  	[sflag:s0] =	ssyncadd.s32 @!p0 s1  }
0x41: {  	[bflag:$0x3] =	sbarrier.arrive $0xFFFF  }
0x42: {  	_ =	shalt  }

// kernel: kernel.9.cloned.1.call-start
scs
__scs_entry_jumppad:
0x0: {  	(pc) =	sbr.rel $0x88, $3  }
0x1: {  	(tag) =	ssettag $0x0;
	lr =	simm.s32 $0x1  }
0x2: {  	[smem:$0x3F98] =	sst lr;
	_ =	strace $0xD0000000  }
0x3: {  	_ = 	snop  }
0x4: {  	_ = 	snop  }
0x5: {  	_ = 	snop  }
0x6: {  	_ = 	snop  }
0x7: {  	_ = 	snop  }
__scs_overlays_trampoline_lowered:
0x8: {  	[smem:$0x3FA7] =	sst s0  }
0x9: {  	[smem:$0x3FA8] =	sst s1  }
0xa: {  	[smem:$0x3FA9] =	sst s2  }
0xb: {  	[smem:$0x3FAA] =	sst s3  }
0xc: {  	[smem:$0x3FAB] =	sst s4  }
0xd: {  	[smem:$0x3FAC] =	sst s5  }
0xe: {  	[smem:$0x3FAD] =	sst s6  }
0xf: {  	[smem:$0x3FAE] =	sst s7  }
0x10: {  	[smem:$0x3FAF] =	sst s8  }
0x11: {  	[smem:$0x3FB0] =	sst s9;
	s0 =	simm.s32 @!p0 $0x0  }
0x12: {  	s1 =	sld [smem:$0x3F96];
	s0 =	simm.s32 @p0 $0x1  }
0x13: {  	[smem:$0x3FB1] =	sst s0;
	s0 =	simm.s32 @!p1 $0x0  }
0x14: {  	s2 =	sld [smem:$0x3F95];
	s0 =	simm.s32 @p1 $0x1  }
0x15: {  	[smem:$0x3FB2] =	sst s0;
	s0 =	simm.s32 @!p2 $0x0  }
0x16: {  	s3 =	sld [smem:$0x3FDB];
	s0 =	simm.s32 @p2 $0x1  }
0x17: {  	s4 =	simm.s32 $0x1BF5;
	[smem:$0x3FB4] =	sst s0  }
0x18: {  	s0 =	sld [smem:$0x3F97];
	_ =	swait.ge [sflag:s4], $0x0  }
0x19: {  	s7 =	sld [smem:$0x3F98]  }
0x1a: {  	s8 =	sadd.s32 $0xFFFFE003, lr  }
0x1b: {  	s9 =	sadd.s32 $0xFFFFFEF7, lr;
	s5 =	simm.s32 $0xFFFFFFFF;
	p2 =	slt.u32 s8, $0xFFFFF086  }
0x1c: {  	p1 =	slt.u32 s9, $0xF7A;
	s5 =	simm.s32 @!p2 $0x0  }
0x1d: {  	s5 =	simm.s32 @p1 $0x1;
	p0 =	seq.s32 s7, s2  }
0x1e: {  	s7 =	smul.u32 @!p0 $0xF7A, s2;
	p2 =	seq.s32 @!p0 s5, $0x0  }
0x1f: {  	s9 =	smul.u32 $0xF7A, s1;
	s8 =	simm.s32 @!p0 $0x1BF5;
	p2 =	por !p2, p0  }
0x20: {  	[sflag:s8] =	ssyncset.s32 @!p0 $0xFFFFF086;
	s6 =	sadd.s32 @!p0 s3, s7;
	s7 =	simm.s32 @!p0 $0x108  }
0x21: {  	s3 =	sadd.s32 s3, s9;
	s6 =	sadd.s32 @!p0 $0x88, s6;
	s7 =	simm.s32 @p2 $0x1082  }
0x22: {  	[simem:s7], [sflag:s8] =	dma.local @!p0 [hbm:s6], $0xF7A  }
0x23: {  	s9 =	sor.u32 $0xD0000000, s2;
	s6 =	simm.s32 $0x108;
	_ =	swait.ge @!p0 [sflag:s8], $0x0  }
0x24: {  	s3 =	sadd.s32 $0x88, s3;
	s6 =	simm.s32 @!p1 $0x1082;
	[sflag:s4] =	ssyncset.s32 $0xFFFFF086  }
0x25: {  	[simem:s6], [sflag:s4] =	dma.local [hbm:s3], $0xF7A  }
0x26: {  	[smem:$0x3F98] =	sst s1;
	(tag) =	ssettag s2;
	_ =	strace s9  }
0x27: {  	s1 =	sld [smem:$0x3FA8]  }
0x28: {  	s2 =	sld [smem:$0x3FA9]  }
0x29: {  	s4 =	sld [smem:$0x3FAB]  }
0x2a: {  	p0 =	seq.s32 s5, $0x0;
	s5 =	sld [smem:$0x3FAC]  }
0x2b: {  	s6 =	sld [smem:$0x3FAD]  }
0x2c: {  	s7 =	sld [smem:$0x3FAE]  }
0x2d: {  	s3 =	simm.s32 $0x108;
	s8 =	sld [smem:$0x3FAF]  }
0x2e: {  	s3 =	simm.s32 @!p0 $0x1082;
	s9 =	sld [smem:$0x3FB0]  }
0x2f: {  	lr =	sadd.s32 s0, s3;
	s0 =	sld [smem:$0x3FA7]  }
0x30: {  	s3 =	sld [smem:$0x3FAA]  }
0x31: {  	[smem:$0x3FB3] =	sst s10  }
0x32: {  	s10 =	sld [smem:$0x3FB1];
	_ =	sdelay $0x3  }
0x33: {  	p0 =	seq.s32 s10, $0x1;
	s10 =	sld [smem:$0x3FB3];
	_ =	sdelay $0x3  }
0x34: {  	[smem:$0x3FB3] =	sst s10  }
0x35: {  	s10 =	sld [smem:$0x3FB2];
	_ =	sdelay $0x3  }
0x36: {  	p1 =	seq.s32 s10, $0x1;
	s10 =	sld [smem:$0x3FB3];
	_ =	sdelay $0x3  }
0x37: {  	[smem:$0x3FB3] =	sst s10  }
0x38: {  	s10 =	sld [smem:$0x3FB4]  }
0x39: {  	_ = 	snop;
	(pc) =	sbr.ind lr, $3  }
0x3a: {  	_ = 	snop  }
0x3b: {  	_ = 	snop  }
0x3c: {  	p2 =	seq.s32 s10, $0x1;
	s10 =	sld [smem:$0x3FB3]  }
0x3d: {  	_ =	shalt  }
0x3e: {  	_ =	shalt  }
0x3f: {  	_ =	shalt  }
0x40: {  	_ =	shalt  }
0x41: {  	_ =	shalt  }
0x42: {  	_ =	shalt  }
0x43: {  	_ =	shalt  }
0x44: {  	_ =	shalt  }
0x45: {  	_ =	shalt  }
0x46: {  	_ =	shalt  }
0x47: {  	_ =	shalt  }
0x48: {  	_ =	shalt  }
0x49: {  	_ =	shalt  }
0x4a: {  	_ =	shalt  }
0x4b: {  	_ =	shalt  }
0x4c: {  	_ =	shalt  }
0x4d: {  	_ =	shalt  }
0x4e: {  	_ =	shalt  }
0x4f: {  	_ =	shalt  }
0x50: {  	_ =	shalt  }
0x51: {  	_ =	shalt  }
0x52: {  	_ =	shalt  }
0x53: {  	_ =	shalt  }
0x54: {  	_ =	shalt  }
0x55: {  	_ =	shalt  }
0x56: {  	_ =	shalt  }
0x57: {  	_ =	shalt  }
0x58: {  	_ =	shalt  }
0x59: {  	_ =	shalt  }
0x5a: {  	_ =	shalt  }
0x5b: {  	_ =	shalt  }
0x5c: {  	_ =	shalt  }
0x5d: {  	_ =	shalt  }
0x5e: {  	_ =	shalt  }
0x5f: {  	_ =	shalt  }
0x60: {  	_ =	shalt  }
0x61: {  	_ =	shalt  }
0x62: {  	_ =	shalt  }
0x63: {  	_ =	shalt  }
0x64: {  	_ =	shalt  }
0x65: {  	_ =	shalt  }
0x66: {  	_ =	shalt  }
0x67: {  	_ =	shalt  }
0x68: {  	_ =	shalt  }
0x69: {  	_ =	shalt  }
0x6a: {  	_ =	shalt  }
0x6b: {  	_ =	shalt  }
0x6c: {  	_ =	shalt  }
0x6d: {  	_ =	shalt  }
0x6e: {  	_ =	shalt  }
0x6f: {  	_ =	shalt  }
0x70: {  	_ =	shalt  }
0x71: {  	_ =	shalt  }
0x72: {  	_ =	shalt  }
0x73: {  	_ =	shalt  }
0x74: {  	_ =	shalt  }
0x75: {  	_ =	shalt  }
0x76: {  	_ =	shalt  }
0x77: {  	_ =	shalt  }
0x78: {  	_ =	shalt  }
0x79: {  	_ =	shalt  }
0x7a: {  	_ =	shalt  }
0x7b: {  	_ =	shalt  }
0x7c: {  	_ =	shalt  }
0x7d: {  	_ =	shalt  }
0x7e: {  	_ =	shalt  }
0x7f: {  	_ =	shalt  }
0x80: {  	_ =	shalt  }
0x81: {  	_ =	shalt  }
0x82: {  	_ =	shalt  }
0x83: {  	_ =	shalt  }
0x84: {  	_ =	shalt  }
0x85: {  	_ =	shalt  }
0x86: {  	_ =	shalt  }
0x87: {  	_ =	shalt  }
.Lfunc_end0:
.L_simem_size_0:
called_computation.1_lowered:
.L_overlay_start_0:
0x88: {  	s2 =	sld [smem:$0x3FD9]  }
0x89: {  	s3 =	sld [smem:$0x3FFE];
	_ =	sdelay $0x1  }
0x8a: {  	s1 =	srdreg.scid  }
0x8b: {  	s0 =	sand.u32 $0x1, s1  }
0x8c: {  	s17 =	sshll.u32 s0, $0xA;
	s2 =	sadd.s32 s3, s2  }
0x8d: {  	s2 =	sadd.s32 s2, s17  }
0x8e: {  	[smem:$0x3FBF] =	sst s2  }
0x8f: {  	_ = 	snop  }
0x90: {  	s2 =	sld [smem:$0x3FD0];
	(tm) =	ssettm $0x1  }
0x91: {  	s18 =	sld [smem:$0x3FFB];
	_ =	sdelay $0x3  }
0x92: {  	_ =	strace s18  }
0x93: {  	s3 =	sld [smem:$0x3FFC];
	_ =	sdelay $0x3  }
0x94: {  	_ =	strace s3  }
0x95: {  	s3 =	sld [smem:$0x3FFD];
	_ =	sdelay $0x3  }
0x96: {  	_ =	strace s3  }
0x97: {  	_ =	strace $0x8FFFFFFF  }
0x98: {  	s19 =	sld [smem:$0x3FDB];
	_ =	sdelay $0x1  }
0x99: {  	s4 =	simm.s32 $_scs_section_size  }
0x9a: {  	s5 =	simm.s32 $_size__tile_overlayer_lowered;
	s6 =	simm.s32 $_tile_overlayer_lowered  }
0x9b: {  	s22 =	simm.s32 $0x1BFF;
	s21 =	sshll.u32 s6, $0x1;
	s3 =	sadd.s32 s4, s19  }
0x9c: {  	s7 =	simm.s32 $0x0;
	s20 =	sshll.u32 s5, $0x1;
	s5 =	sadd.s32 s21, s3  }
0x9d: {  	[timem:s7], [sflag:s22] =	dma.local [hbm:s5], s20  }
0x9e: {  	_ =	swait.ge [sflag:s22], s20  }
0x9f: {  	s4 =	ssub.s32 $0x0, s20;
	[sflag:s22] =	ssyncset.done $0x0  }
0xa0: {  	[sflag:s22] =	ssyncadd.s32 s4;
	_ =	sdelay $0x1  }
0xa1: {  	s23 =	simm.s32 $0x1B8B  }
0xa2: {  	_ =	swait.ge [sflag:s23], $0x1  }
0xa3: {  	[sflag:s23] =	ssyncset.done $0x0  }
0xa4: {  	s25 =	simm.s32 $0x1B8E;
	s24 =	sld [smem:$0x3FFE];
	[sflag:s23] =	ssyncadd.s32 $0xFFFFFFFF  }
0xa5: {  	s26 =	simm.s32 $execute0_lowered;
	[smem:$0x3FD2] =	sst s25  }
0xa6: {  	s5 =	sshll.u32 s26, $0x1;
	_ =	strace $0x80000049;
	[dreg:$0x1] =	wrdreg $0xFFFFFFFF  }
0xa7: {  	s28 =	simm.s32 $_size_execute0_lowered;
	s3 =	sadd.s32 s3, s5;
	[dreg:$0x0] =	wrdreg $0x0  }
0xa8: {  	s5 =	sshll.u32 s28, $0x1;
	[dreg:$0x2] =	wrdreg s3  }
0xa9: {  	[dreg:$0x3] =	wrdreg s5  }
0xaa: {  	[dreg:$0x4] =	wrdreg $0xC0  }
0xab: {  	_ =	task [dreg:s7], $0x5FFFF  }
0xac: {  	[dreg:$0x1] =	wrdreg $0xFFFFFFFF  }
0xad: {  	[dreg:$0x0] =	wrdreg $0x60  }
0xae: {  	[dreg:$0x2] =	wrdreg s24  }
0xaf: {  	[dreg:$0x3] =	wrdreg s2  }
0xb0: {  	[dreg:$0x4] =	wrdreg $0x28800  }
0xb1: {  	[dreg:$0x5] =	wrdreg $0x9  }
0xb2: {  	_ =	task.clear_ibuf [dreg:s7], $0x6FFFF;
	_ =	strace $0x90000049  }
0xb3: {  	s29 =	simm.s32 $0x9;
	_ =	strace $0x8000004B  }
0xb4: {  	_ =	swait.ge [sflag:s29], $0x1  }
0xb5: {  	[sflag:s29] =	ssyncadd.s32 $0xFFFFFFFF  }
0xb6: {  	_ =	strace $0x9000004B  }
0xb7: {  	_ =	sfence  }
0xb8: {  	s30 =	sld [smem:$0x0];
	_ =	sdelay $0x2  }
0xb9: {  	s31 =	sshll.u32 s1, $0xD;
	s1 =	sshrl.u32 s1, $0x2  }
0xba: {  	s3 =	sand.u32 $0x4000, s31;
	s1 =	sadd.s32 s1, s30  }
0xbb: {  	s0 =	sor.u32 s3, s0;
	s1 =	sshll.u32 s1, $0x11  }
0xbc: {  	s0 =	sor.u32 s1, s0  }
0xbd: {  	s0 =	sadd.s32 $0x8F2B, s0  }
0xbe: {  	[sflag:s0] =	ssyncadd.remote.s32 $0x1  }
0xbf: {  	_ =	sfence.sel $0xFFFF  }
0xc0: {  	[dreg:$0x0] =	wrdreg $0xFFFFFFFF;
	(pc) =	sbr.abs _section_cstart, $3  }
0xc1: {  	[dreg:$0x1] =	wrdreg $0xFFFFFFFF  }
0xc2: {  	_ =	task.clear_ibuf [dreg:s7], $0x2FFFF;
	_ =	strace $0x9FFFFFFF  }
0xc3: {  	(tm) =	ssettm $0x7FFFFFFF  }
tec
execute0_lowered:
.L_overlay_start_1:
0x0: {  	(tag) =	ssettag $0x1  }
0x1: {  	s5 =	rddreg [dreg:$0x0]  }
0x2: {  	s17 =	rddreg [dreg:$0x1]  }
0x3: {  	s2 =	rddreg [dreg:$0x2];
	s1 =	stileid.u32  }
0x4: {  	s0 =	rddreg [dreg:$0x3];
	s6 =	smul.u32 $0x4E000, s1  }
0x5: {  	s3 =	simm.s32 $0x0;
	s4 =	srdreg.scid;
	s21 =	smul.u32 $0x2700, s1  }
0x6: {  	s19 =	simm.s32 $0x1;
	s20 =	simm.s32 $0x50;
	s16 =	smul.u32 $0x4E200, s1  }
0x7: {  	s23 =	simm.s32 $0x0;
	s4 =	sand.u32 $0x1, s4;
	s18 =	smul.u32 $0x9C4, s1  }
0x8: {  	[smem:$0x7FF] =	sst s3;
	p0 =	sne.s32 s1, $0xF;
	s7 =	smul.u32 $0x4E2000, s4  }
0x9: {  	s22 =	sshll.u32 s1, $0x6;
	_ =	strace $0x8000004A;
	s8 =	smul.u32 $0x27100, s4  }
0xa: {  	s9 =	ssub.s32 $0x2, s4;
	s22 =	sor.u32 $0x1C01, s22;
	s30 =	sshrl.u32 s6, $0x2  }
0xb: {  	s31 =	sshrl.u32 s9, $0x1;
	s6 =	sadd.s32 $0x138000, s2;
	s16 =	sadd.s32 $0x4E2000, s16  }
0xc: {  	s17 =	sadd.s32 s18, s17;
	s18 =	simm.s32 $0x80;
	s7 =	sadd.s32 s7, s5  }
0xd: {  	s4 =	sadd.s32 s30, s2;
	s8 =	sadd.s32 s8, s5;
	s9 =	ssub.s32 s9, s31  }
0xe: {  	s17 =	sadd.s32 $0x9C40, s17;
	s5 =	sadd.s32 $0x11800, s4;
	s7 =	sadd.s32 $0x4E3600, s7  }
0xf: {  	s8 =	sadd.s32 $0x1600, s8;
	s9 =	smax.u32 s9, $0x1;
	s10 =	sadd.s32 $0x2800, s4  }
0x10: {  	s11 =	sadd.s32 $0x5000, s4;
	s12 =	sadd.s32 $0x7800, s4;
	s13 =	sadd.s32 $0xA000, s4  }
0x11: {  	v0 =	vimm.f32 $0.0e+00;
	s14 =	sadd.s32 $0xC800, s4;
	s15 =	sadd.s32 $0xF000, s4;
	s21 =	sadd.s32 s21, s8  }
.LBB2_1:
0x12: {  	s25 =	simm.s32 $0x200;
	s24 =	simm.s32 $0x0  }
.LBB2_2:
0x13: {  	p1 =	sne.s32 s25, $0x9E00;
	[tilespmem:s24+$0xC0] =	vst v0;
	s26 =	smov.u32 s25;
	s25 =	sadd.s32 $0x200, s25  }
.Ltmp0:
0x14: {  	[tilespmem:s24+$0xB0] =	vst v0;
	(pc) =	sbr.rel @p1 .LBB2_2-.Ltmp0, $4  }
0x15: {  	[tilespmem:s24+$0xA0] =	vst v0  }
0x16: {  	[tilespmem:s24+$0x80] =	vst v0  }
0x17: {  	[tilespmem:s24+$0x90] =	vst v0  }
0x18: {  	s24 =	sshra.s32 s26, $0x2  }
0x19: {  	[tilespmem:s24+$0xC0] =	vst v0  }
0x1a: {  	[tilespmem:s24+$0xB0] =	vst v0  }
0x1b: {  	[tilespmem:s24+$0xA0] =	vst v0  }
0x1c: {  	[tilespmem:s24+$0x80] =	vst v0  }
0x1d: {  	[tilespmem:s24+$0x90] =	vst v0  }
0x1e: {  	[spmem:s4] =	stream.linear.scatter [tilespmem:s18], [sflag:$0x1], $0x2800, $0x38;
	[tilespmem:$0xEBD0] =	vst v63  }
0x1f: {  	_ =	swait.ge [sflag:s19], $0x2800  }
0x20: {  	[sflag:s19] =	ssyncset.done $0x0  }
0x21: {  	[sflag:s19] =	ssyncadd.s32 $0xFFFFD800  }
0x22: {  	[spmem:s10] =	stream.linear.scatter [tilespmem:s18], [sflag:$0x1], $0x2800, $0x38;
	[tilespmem:$0xEBD0] =	vst v63  }
0x23: {  	_ =	swait.ge [sflag:s19], $0x2800  }
0x24: {  	[sflag:s19] =	ssyncset.done $0x0  }
0x25: {  	[sflag:s19] =	ssyncadd.s32 $0xFFFFD800  }
0x26: {  	[spmem:s11] =	stream.linear.scatter [tilespmem:s18], [sflag:$0x1], $0x2800, $0x38;
	[tilespmem:$0xEBD0] =	vst v63  }
0x27: {  	_ =	swait.ge [sflag:s19], $0x2800  }
0x28: {  	[sflag:s19] =	ssyncset.done $0x0  }
0x29: {  	[sflag:s19] =	ssyncadd.s32 $0xFFFFD800  }
0x2a: {  	[spmem:s12] =	stream.linear.scatter [tilespmem:s18], [sflag:$0x1], $0x2800, $0x38;
	[tilespmem:$0xEBD0] =	vst v63  }
0x2b: {  	_ =	swait.ge [sflag:s19], $0x2800  }
0x2c: {  	[sflag:s19] =	ssyncset.done $0x0  }
0x2d: {  	[sflag:s19] =	ssyncadd.s32 $0xFFFFD800  }
0x2e: {  	[spmem:s13] =	stream.linear.scatter [tilespmem:s18], [sflag:$0x1], $0x2800, $0x38;
	[tilespmem:$0xEBD0] =	vst v63  }
0x2f: {  	_ =	swait.ge [sflag:s19], $0x2800  }
0x30: {  	[sflag:s19] =	ssyncset.done $0x0  }
0x31: {  	[sflag:s19] =	ssyncadd.s32 $0xFFFFD800  }
0x32: {  	[spmem:s14] =	stream.linear.scatter [tilespmem:s18], [sflag:$0x1], $0x2800, $0x38;
	[tilespmem:$0xEBD0] =	vst v63  }
0x33: {  	_ =	swait.ge [sflag:s19], $0x2800  }
0x34: {  	[sflag:s19] =	ssyncset.done $0x0  }
0x35: {  	[sflag:s19] =	ssyncadd.s32 $0xFFFFD800  }
0x36: {  	[spmem:s15] =	stream.linear.scatter [tilespmem:s18], [sflag:$0x1], $0x2800, $0x38;
	[tilespmem:$0xEBD0] =	vst v63  }
0x37: {  	_ =	swait.ge [sflag:s19], $0x2800  }
0x38: {  	[sflag:s19] =	ssyncset.done $0x0  }
0x39: {  	[sflag:s19] =	ssyncadd.s32 $0xFFFFD800  }
0x3a: {  	[spmem:s5] =	stream.linear.scatter [tilespmem:s18], [sflag:$0x1], $0x2000, $0x38;
	[tilespmem:$0xEBD0] =	vst v63  }
0x3b: {  	_ =	swait.ge [sflag:s19], $0x2000  }
0x3c: {  	[sflag:s19] =	ssyncset.done $0x0  }
0x3d: {  	s24 =	simm.s32 @!p0 $0x80;
	[sflag:s19] =	ssyncadd.s32 $0xFFFFE000  }
0x3e: {  	[spmem:s6] =	stream.linear.scatter @!p0 [tilespmem:s24], [sflag:$0x1], $0x800, $0x38;
	[tilespmem:$0xEBD0] =	vst v63  }
0x3f: {  	s24 =	simm.s32 @!p0 $0x1  }
0x40: {  	_ =	swait.ge @!p0 [sflag:s24], $0x800  }
0x41: {  	[sflag:s24] =	ssyncset.done @!p0 $0x0  }
0x42: {  	[sflag:s24] =	ssyncadd.s32 @!p0 $0xFFFFF800  }
0x43: {  	s30 =	sadd.s32 $0x0, s17;
	[bflag:$0x0] =	sbarrier.arrive $0xFFFF  }
0x44: {  	[tilespmem:s3], [sflag:$0x1] =	stream.linear.gather [hbm4b:s30+s3], $0x50, $0x38;
	[tilespmem:$0xEBD0] =	vst v63  }
0x45: {  	_ =	swait.ge [sflag:s19], $0x50  }
0x46: {  	[sflag:s19] =	ssyncset.done $0x0  }
0x47: {  	s31 =	sadd.s32 s16, s7;
	[sflag:s19] =	ssyncadd.s32 $0xFFFFFFB0  }
0x48: {  	[tilespmem:s18], [sflag:$0x1] =	stream.linear.gather [hbm4b:s31+s3], $0x2800, $0x38;
	[tilespmem:$0xEBD0] =	vst v63  }
0x49: {  	_ =	swait.ge [sflag:s19], $0x2800  }
0x4a: {  	[sflag:s19] =	ssyncset.done $0x0  }
0x4b: {  	[sflag:s19] =	ssyncadd.s32 $0xFFFFD800  }
0x4c: {  	[spmem:s2] =	stream.indirect.scatter.add.f32 [tilespmem:s18], [sflag:$0x1], $0x50, s3, s20, $0xb8;
	[tilespmem:$0xEBD0] =	vst v63  }
0x4d: {  	s25 =	simm.s32 $0xA;
	_ =	swait.ge [sflag:s19], $0x1900  }
0x4e: {  	s26 =	simm.s32 $0x14;
	s24 =	sadd.s32 $0x500, s16;
	[sflag:s19] =	ssyncset.done $0x0  }
.LBB2_4:
0x4f: {  	s28 =	sadd.s32 s25, s17  }
0x50: {  	[sflag:s19] =	ssyncadd.s32 $0xFFFFE700;
	s25 =	smov.u32 s26;
	s29 =	sadd.s32 $0xA, s26  }
0x51: {  	[tilespmem:s3], [sflag:$0x1] =	stream.linear.gather [hbm4b:s28+s3], $0x50, $0x38;
	[tilespmem:$0xEBD0] =	vst v63  }
0x52: {  	p1 =	sne.s32 s26, $0x9BA;
	_ =	swait.ge [sflag:s19], $0x50  }
0x53: {  	[sflag:s19] =	ssyncset.done $0x0  }
0x54: {  	s26 =	sadd.s32 s24, s7;
	[sflag:s19] =	ssyncadd.s32 $0xFFFFFFB0  }
0x55: {  	[tilespmem:s18], [sflag:$0x1] =	stream.linear.gather [hbm4b:s26+s3], $0x2800, $0x38;
	[tilespmem:$0xEBD0] =	vst v63  }
0x56: {  	_ =	swait.ge [sflag:s19], $0x2800  }
.Ltmp1:
0x57: {  	[sflag:s19] =	ssyncset.done $0x0;
	(pc) =	sbr.rel @p1 .LBB2_4-.Ltmp1, $4  }
0x58: {  	[sflag:s19] =	ssyncadd.s32 $0xFFFFD800  }
0x59: {  	[spmem:s2] =	stream.indirect.scatter.add.f32 [tilespmem:s18], [sflag:$0x1], $0x50, s3, s20, $0xb8;
	[tilespmem:$0xEBD0] =	vst v63  }
0x5a: {  	_ =	swait.ge [sflag:s19], $0x1900  }
0x5b: {  	s24 =	sadd.s32 $0x500, s24;
	s26 =	smov.u32 s29;
	[sflag:s19] =	ssyncset.done $0x0  }
0x5c: {  	s25 =	sadd.s32 s25, s17;
	[sflag:s19] =	ssyncadd.s32 $0xFFFFE700  }
0x5d: {  	[tilespmem:s3], [sflag:$0x1] =	stream.linear.gather [hbm4b:s25+s3], $0x50, $0x38;
	[tilespmem:$0xEBD0] =	vst v63  }
0x5e: {  	_ =	swait.ge [sflag:s19], $0x50  }
0x5f: {  	[sflag:s19] =	ssyncset.done $0x0  }
0x60: {  	s24 =	sadd.s32 s24, s7;
	[sflag:s19] =	ssyncadd.s32 $0xFFFFFFB0  }
0x61: {  	[tilespmem:s18], [sflag:$0x1] =	stream.linear.gather [hbm4b:s24+s3], $0x2800, $0x38;
	[tilespmem:$0xEBD0] =	vst v63  }
0x62: {  	_ =	swait.ge [sflag:s19], $0x2800  }
0x63: {  	[sflag:s19] =	ssyncset.done $0x0  }
0x64: {  	[sflag:s19] =	ssyncadd.s32 $0xFFFFD800  }
0x65: {  	[spmem:s2] =	stream.indirect.scatter.add.f32 [tilespmem:s18], [sflag:$0x1], $0x50, s3, s20, $0xb8;
	[tilespmem:$0xEBD0] =	vst v63  }
0x66: {  	_ =	swait.ge [sflag:s19], $0x1900  }
0x67: {  	[sflag:s19] =	ssyncset.done $0x0  }
0x68: {  	[sflag:s19] =	ssyncadd.s32 $0xFFFFE700  }
0x69: {  	s31 =	sshrl.u32 s4, $0x3;
	[bflag:$0x0] =	sbarrier.arrive $0xFFFF  }
0x6a: {  	[hbm:s21], [sflag:s22] =	dma.local [spmem:s31], $0x2700  }
0x6b: {  	_ =	swait.ge [sflag:s19], $0x2700  }
0x6c: {  	s23 =	sadd.s32 $0x1, s23;
	s25 =	sshrl.u32 @!p0 s6, $0x3;
	[sflag:s19] =	ssyncset.done $0x0  }
0x6d: {  	p1 =	sne.s32 s23, s9;
	s24 =	sadd.s32 @!p0 $0x27000, s8;
	[sflag:s19] =	ssyncadd.s32 $0xFFFFD900  }
0x6e: {  	[hbm:s24], [sflag:s22] =	dma.local @!p0 [spmem:s25], $0x100  }
.Ltmp2:
0x6f: {  	_ = 	snop;
	(pc) =	sbr.rel @p1 .LBB2_1-.Ltmp2, $4  }
0x70: {  	s24 =	simm.s32 @!p0 $0x1  }
0x71: {  	_ =	swait.ge @!p0 [sflag:s24], $0x100  }
0x72: {  	[sflag:s24] =	ssyncset.done @!p0 $0x0  }
0x73: {  	[sflag:s24] =	ssyncadd.s32 @!p0 $0xFFFFFF00  }
0x74: {  	_ =	sfence.sel $0x180000  }
0x75: {  	[bflag:$0x0] =	sbarrier.arrive $0xFFFF  }
0x76: {  	p0 =	sne.s32 s1, $0x0;
	_ =	strace $0x9000004A  }
0x77: {  	s0 =	sadd.s32 @!p0 $0x100000, s0;
	[bflag:$0x2] =	sbarrier.arrive $0xFFFF  }
0x78: {  	[sflag:s0] =	ssyncadd.tile.s32 @!p0 $0x1;
	_ =	shalt  }
.Lfunc_end2:
_tile_overlayer_lowered:
.L_overlay_start_2:
0x79: {  	(tag) =	ssettag $0x2  }
0x7a: {  	s0 =	rddreg [dreg:$0x0];
	s2 =	stileid.u32  }
0x7b: {  	s1 =	rddreg [dreg:$0x1];
	p0 =	sne.s32 s2, $0x0  }
0x7c: {  	s3 =	rddreg [dreg:$0x2];
	[bflag:$0x3] =	sbarrier.arrive $0xFFFF;
	s2 =	simm.s32 @!p0 $0x1C01  }
0x7d: {  	[timem:s3], [sflag:s2] =	dma.local @!p0 [hbm:s0], s1  }
0x7e: {  	s0 =	simm.s32 @!p0 $0x1  }
0x7f: {  	_ =	swait.ge @!p0 [sflag:s0], s1  }
0x80: {  	s1 =	ssub.s32 @!p0 $0x0, s1;
	[sflag:s0] =	ssyncset.done @!p0 $0x0  }
0x81: {  	[sflag:s0] =	ssyncadd.s32 @!p0 s1  }
0x82: {  	[bflag:$0x3] =	sbarrier.arrive $0xFFFF  }
0x83: {  	_ =	shalt  }

</sc_bundles>
